<compile_context>
chip_gen: v7x
topology: tpu7x:2x2x1
jax: 0.10.2.dev20260603
libtpu: 0.0.44.dev20260713+nightly
codegen_flags: <defaults>
</compile_context>

<pallas_src>
import jax
import jax.numpy as jnp
import numpy as np
from jax import lax
from jax.experimental import pallas as pl
from jax.experimental.pallas import tpu as pltpu
from jax.experimental.pallas import tpu_sc as plsc

N = 10000
E = 320000
D = 128
D_KAF = 20

NT = 32
B = 128
PER_TILE = ((E + NT - 1) // NT + B - 1) // B * B
NCH = PER_TILE // B
E_PAD = PER_TILE * NT
N_PAD = 10240
RPT = N_PAD // 16

_PTS = np.linspace(-3.0, 3.0, D_KAF).astype(np.float32)
_DELTA = _PTS[1] - _PTS[0]
_GAMMA = np.float32(1.0) / (np.float32(2.0) * _DELTA * _DELTA)

def _p_body(h, src3, dst3, z128, p_out, idxs, idxd, rows, spP, sem):
    c = lax.axis_index("c")
    s = lax.axis_index("s")
    g = c * 16 + s

    pltpu.sync_copy(z128, spP.at[pl.ds(s * RPT, RPT)])
    pltpu.sync_copy(src3.at[g], idxs)
    pltpu.sync_copy(dst3.at[g], idxd)
    plsc.subcore_barrier()

    def chunk(i, carry):
        pltpu.async_copy(h.at[idxs.at[i]], rows, sem).wait()
        pltpu.sync_copy(rows, spP.at[idxd.at[i]], add=True)
        return carry

    lax.fori_loop(0, NCH, chunk, 0)
    plsc.subcore_barrier()

    pltpu.sync_copy(spP.at[pl.ds(s * RPT, RPT)], p_out.at[c, pl.ds(s * RPT, RPT)])


import functools


@functools.lru_cache(maxsize=None)
def _sc_kernels():
    mesh = plsc.VectorSubcoreMesh(core_axis_name="c", subcore_axis_name="s")
    scratch = [
        pltpu.VMEM((NCH, B), jnp.int32),
        pltpu.VMEM((NCH, B), jnp.int32),
        pltpu.VMEM((B, D), jnp.float32),
        pltpu.VMEM_SHARED((N_PAD, D), jnp.float32),
        pltpu.SemaphoreType.DMA,
    ]
    p_pass = pl.kernel(
        _p_body,
        out_type=[jax.ShapeDtypeStruct((2, N_PAD, D), jnp.float32)],
        mesh=mesh,
        scratch_types=scratch,
    )
    return p_pass


def _dense_body(h_ref, p_ref, aux_ref, nodew_ref, edgew_ref, nbrw_ref,
                bias_ref, alphat_ref, out_ref):
    p = p_ref[0] + p_ref[1]
    aux = aux_ref[0, :, :16] + aux_ref[1, :, :16]
    inv = 1.0 / jnp.maximum(aux[:, 2:3], 1.0)
    aggr = (jnp.dot(aux, edgew_ref[...], preferred_element_type=jnp.float32)
            + jnp.dot(p, nbrw_ref[...], preferred_element_type=jnp.float32)) * inv
    pre = (aggr + jnp.dot(h_ref[...], nodew_ref[...],
                          preferred_element_type=jnp.float32) + bias_ref[...])
    alpha = alphat_ref[...]
    acc = jnp.zeros_like(pre)
    for j in range(D_KAF):
        t = pre - _PTS[j]
        acc = acc + jnp.exp(-_GAMMA * t * t) * alpha[j]
    out_ref[...] = acc


_R = 512


def _dense(h, p, aux, node_w, edge_w16, nbr_w, bias_b, alpha_t):
    return pl.pallas_call(
        _dense_body,
        grid=(N_PAD // _R,),
        in_specs=[
            pl.BlockSpec((_R, D), lambda i: (i, 0)),
            pl.BlockSpec((2, _R, D), lambda i: (0, i, 0)),
            pl.BlockSpec((2, _R, D), lambda i: (0, i, 0)),
            pl.BlockSpec((D, D), lambda i: (0, 0)),
            pl.BlockSpec((16, D), lambda i: (0, 0)),
            pl.BlockSpec((D, D), lambda i: (0, 0)),
            pl.BlockSpec((1, D), lambda i: (0, 0)),
            pl.BlockSpec((D_KAF, D), lambda i: (0, 0)),
        ],
        out_specs=pl.BlockSpec((_R, D), lambda i: (i, 0)),
        out_shape=jax.ShapeDtypeStruct((N_PAD, D), jnp.float32),
    )(h, p, aux, node_w, edge_w16, nbr_w, bias_b, alpha_t)


def kernel(x, edge_index, edge_attr,
           node_w0, edge_w0, nbr_w0, bias0, alpha0,
           node_w1, edge_w1, nbr_w1, bias1, alpha1):
    f32 = jnp.float32
    src = edge_index[0].astype(jnp.int32)
    dst = edge_index[1].astype(jnp.int32)
    pad = E_PAD - E
    src3 = jnp.concatenate([src, jnp.zeros((pad,), jnp.int32)]).reshape(NT, NCH, B)
    dst3 = jnp.concatenate([dst, jnp.full((pad,), N, jnp.int32)]).reshape(NT, NCH, B)
    aug128 = jnp.concatenate(
        [edge_attr, jnp.ones((E, 1), f32), jnp.zeros((E, 125), f32)], axis=1)
    aug128 = jnp.concatenate([aug128, jnp.zeros((pad, D), f32)])
    ids3 = jnp.arange(E_PAD, dtype=jnp.int32).reshape(NT, NCH, B)
    z128 = jnp.zeros((RPT, D), f32)
    x_pad = jnp.concatenate([x, jnp.zeros((N_PAD - N, D), f32)])

    ew16_0 = jnp.concatenate([edge_w0, jnp.zeros((14, D), f32)])
    ew16_1 = jnp.concatenate([edge_w1, jnp.zeros((14, D), f32)])

    _sc_p_pass = _sc_kernels()
    aux0, = _sc_p_pass(aug128, ids3, dst3, z128)
    p0, = _sc_p_pass(x_pad, src3, dst3, z128)
    h1 = _dense(x_pad, p0, aux0, node_w0, ew16_0, nbr_w0,
                bias0.reshape(1, D), alpha0.T)
    p1, = _sc_p_pass(h1, src3, dst3, z128)
    h2 = _dense(h1, p1, aux0, node_w1, ew16_1, nbr_w1,
                bias1.reshape(1, D), alpha1.T)
    return h2[:N]

# --- scband reference (transcript-rebuilt; emitter-appended) ---
"""Pipeline reference for scband-graph-net-layers-79293686218961 (READ-ONLY COPY).

The authoritative reference and input builder live on the scoring server;
editing this copy changes nothing except your own understanding.
"""

import jax, jax.numpy as jnp
import numpy as np

N = 10000
E = 320000
DIN = 128
DOUT = 128
D_KAF = 20
BOUNDARY = 3.0


def kaf(x, alpha):
    # KAF with gaussian kernel, conv=False. x: [N, C], alpha: [C, D_KAF]
    dict_pts = jnp.linspace(-BOUNDARY, BOUNDARY, D_KAF)
    delta = dict_pts[1] - dict_pts[0]
    gamma = 1.0 / (2.0 * delta ** 2)
    k = jnp.exp(-gamma * (x[..., None] - dict_pts) ** 2)  # [N, C, D]
    return jnp.sum(k * alpha[None, :, :], axis=-1)


def graph_conv(x, edge_index, edge_attr, node_w, edge_w, nbr_w, bias, alpha):
    src = edge_index[0]
    dst = edge_index[1]
    # message: edge_attr @ edge_weight + x_j @ neighbor_weight
    msg = edge_attr @ edge_w + jnp.take(x, src, axis=0) @ nbr_w
    # aggr='mean' over destination nodes
    aggr = jax.ops.segment_sum(msg, dst, num_segments=N)
    cnt = jax.ops.segment_sum(jnp.ones((msg.shape[0],), msg.dtype), dst, num_segments=N)
    aggr = aggr / jnp.maximum(cnt, 1.0)[:, None]
    # update: KAF(aggr + x @ node_weight + bias)
    return kaf(aggr + x @ node_w + bias, alpha)


def setup_inputs(seed: int = 0) -> dict:
    key = jax.random.key(seed)
    ks = jax.random.split(key, 16)
    x = jax.random.normal(ks[0], (N, DIN), dtype=jnp.float32)
    edge_index = jax.random.randint(ks[1], (2, E), 0, N, dtype=jnp.int64)
    edge_attr = jax.random.normal(ks[2], (E, 2), dtype=jnp.float32)
    bn = 1.0 / np.sqrt(DIN * DOUT)   # inits.uniform with size=node_channels*out_channels
    be = 1.0 / np.sqrt(2 * DOUT)     # size=edge_channels*out_channels
    node_w0 = jax.random.uniform(ks[3], (DIN, DOUT), minval=-bn, maxval=bn, dtype=jnp.float32)
    edge_w0 = jax.random.uniform(ks[4], (2, DOUT), minval=-be, maxval=be, dtype=jnp.float32)
    nbr_w0 = jax.random.uniform(ks[5], (DIN, DOUT), minval=-bn, maxval=bn, dtype=jnp.float32)
    bias0 = jnp.zeros((DOUT,), dtype=jnp.float32)
    alpha0 = 0.3 * jax.random.normal(ks[6], (DOUT, D_KAF), dtype=jnp.float32)
    bn1 = 1.0 / np.sqrt(DOUT * DOUT)
    node_w1 = jax.random.uniform(ks[7], (DOUT, DOUT), minval=-bn1, maxval=bn1, dtype=jnp.float32)
    edge_w1 = jax.random.uniform(ks[8], (2, DOUT), minval=-be, maxval=be, dtype=jnp.float32)
    nbr_w1 = jax.random.uniform(ks[9], (DOUT, DOUT), minval=-bn1, maxval=bn1, dtype=jnp.float32)
    bias1 = jnp.zeros((DOUT,), dtype=jnp.float32)
    alpha1 = 0.3 * jax.random.normal(ks[10], (DOUT, D_KAF), dtype=jnp.float32)
    return {"x": x, "edge_index": edge_index, "edge_attr": edge_attr,
            "node_w0": node_w0, "edge_w0": edge_w0, "nbr_w0": nbr_w0, "bias0": bias0, "alpha0": alpha0,
            "node_w1": node_w1, "edge_w1": edge_w1, "nbr_w1": nbr_w1, "bias1": bias1, "alpha1": alpha1}


def reference(x, edge_index, edge_attr,
              node_w0, edge_w0, nbr_w0, bias0, alpha0,
              node_w1, edge_w1, nbr_w1, bias1, alpha1):
    # drop_prob=0.0 -> dropout_adj is identity (eval mode)
    h = graph_conv(x, edge_index, edge_attr, node_w0, edge_w0, nbr_w0, bias0, alpha0)
    h = graph_conv(h, edge_index, edge_attr, node_w1, edge_w1, nbr_w1, bias1, alpha1)
    return h

if __name__ == "__main__":
    import jax
    _d = setup_inputs()
    print(jax.jit(kernel)(*tuple(_d.values())))

</pallas_src>

<mosaic_0001>
#map = affine_map<(d0, d1) -> (0, 0)>
#map1 = affine_map<(d0, d1) -> (0, 0, 0)>
module attributes {stable_mosaic.version = 14 : i64} {
  func.func @_p_body(%arg0: i32, %arg1: i32, %arg2: memref<323584x128xf32, #tpu.memory_space<hbm>>, %arg3: memref<32x79x128xi32, #tpu.memory_space<hbm>>, %arg4: memref<32x79x128xi32, #tpu.memory_space<hbm>>, %arg5: memref<640x128xf32, #tpu.memory_space<hbm>>, %arg6: memref<2x10240x128xf32, #tpu.memory_space<hbm>>, %arg7: memref<79x128xi32, #tpu.memory_space<vmem>>, %arg8: memref<79x128xi32, #tpu.memory_space<vmem>>, %arg9: memref<128x128xf32, #tpu.memory_space<vmem>>, %arg10: memref<10240x128xf32, #tpu.memory_space<vmem_shared>>, %arg11: memref<!tpu.dma_semaphore, #tpu.memory_space<semaphore_mem>>) attributes {dimension_semantics = [#tpu.dimension_semantics<core_parallel>, #tpu.dimension_semantics<subcore_parallel>], iteration_bounds = array<i64: 2, 16>, scalar_prefetch = 0 : i64, scratch_operands = 5 : i64, tpu.core_type = #tpu.core_type<sc_vector_subcore>, window_params = [{transform_indices = #map}, {transform_indices = #map1}, {transform_indices = #map1}, {transform_indices = #map}, {transform_indices = #map1}]} {
    %mul3A = arith.constant 16 : i32
    %mul3A_0 = arith.muli %arg0, %mul3A : i32
    %add3A = arith.addi %mul3A_0, %arg1 : i32
    %mul3A_1 = arith.constant 640 : i32
    %mul3A_2 = arith.muli %arg1, %mul3A_1 : i32
    "tpu.region"() ({
      %run_scoped3A = tpu.sem_alloc : memref<!tpu.dma_semaphore, #tpu.memory_space<semaphore_mem>>
      %dma_start3A = arith.constant 0 : i32
      %dma_start3A_13 = tpu.memref_slice %arg10[%mul3A_2, %dma_start3A] : memref<10240x128xf32, #tpu.memory_space<vmem_shared>> -> memref<640x128xf32, #tpu.memory_space<vmem_shared>>
      tpu.enqueue_dma source(%arg5 : memref<640x128xf32, #tpu.memory_space<hbm>>) target(%dma_start3A_13 : memref<640x128xf32, #tpu.memory_space<vmem_shared>>) target_semaphore(%run_scoped3A : memref<!tpu.dma_semaphore, #tpu.memory_space<semaphore_mem>>)
      %dma_wait3A = arith.constant 0 : i32
      %dma_wait3A_14 = tpu.memref_slice %arg10[%mul3A_2, %dma_wait3A] : memref<10240x128xf32, #tpu.memory_space<vmem_shared>> -> memref<640x128xf32, #tpu.memory_space<vmem_shared>>
      tpu.wait_dma2 semaphore(%run_scoped3A : memref<!tpu.dma_semaphore, #tpu.memory_space<semaphore_mem>>) src(%arg5 : memref<640x128xf32, #tpu.memory_space<hbm>>) dst(%dma_wait3A_14 : memref<640x128xf32, #tpu.memory_space<vmem_shared>>)
      tpu.yield
    }) : () -> ()
    "tpu.region"() ({
      %run_scoped3A = tpu.sem_alloc : memref<!tpu.dma_semaphore, #tpu.memory_space<semaphore_mem>>
      %dma_start3A = arith.constant 0 : i32
      %dma_start3A_13 = arith.constant 0 : i32
      %dma_start3A_14 = tpu.memref_slice %arg3[%add3A, %dma_start3A, %dma_start3A_13] : memref<32x79x128xi32, #tpu.memory_space<hbm>> -> memref<1x79x128xi32, #tpu.memory_space<hbm>>
      %dma_start3A_15 = tpu.memref_squeeze %dma_start3A_14 : memref<1x79x128xi32, #tpu.memory_space<hbm>> -> memref<79x128xi32, #tpu.memory_space<hbm>>
      %dma_start3A_16 = arith.constant 0 : i32
      %dma_start3A_17 = arith.constant 0 : i32
      %dma_start3A_18 = tpu.memref_slice %arg3[%add3A, %dma_start3A_16, %dma_start3A_17] : memref<32x79x128xi32, #tpu.memory_space<hbm>> -> memref<1x79x128xi32, #tpu.memory_space<hbm>>
      %dma_start3A_19 = tpu.memref_squeeze %dma_start3A_18 : memref<1x79x128xi32, #tpu.memory_space<hbm>> -> memref<79x128xi32, #tpu.memory_space<hbm>>
      tpu.enqueue_dma source(%dma_start3A_19 : memref<79x128xi32, #tpu.memory_space<hbm>>) target(%arg7 : memref<79x128xi32, #tpu.memory_space<vmem>>) target_semaphore(%run_scoped3A : memref<!tpu.dma_semaphore, #tpu.memory_space<semaphore_mem>>)
      %dma_wait3A = arith.constant 0 : i32
      %dma_wait3A_20 = arith.constant 0 : i32
      %dma_wait3A_21 = tpu.memref_slice %arg3[%add3A, %dma_wait3A, %dma_wait3A_20] : memref<32x79x128xi32, #tpu.memory_space<hbm>> -> memref<1x79x128xi32, #tpu.memory_space<hbm>>
      %dma_wait3A_22 = tpu.memref_squeeze %dma_wait3A_21 : memref<1x79x128xi32, #tpu.memory_space<hbm>> -> memref<79x128xi32, #tpu.memory_space<hbm>>
      %dma_wait3A_23 = arith.constant 0 : i32
      %dma_wait3A_24 = arith.constant 0 : i32
      %dma_wait3A_25 = tpu.memref_slice %arg3[%add3A, %dma_wait3A_23, %dma_wait3A_24] : memref<32x79x128xi32, #tpu.memory_space<hbm>> -> memref<1x79x128xi32, #tpu.memory_space<hbm>>
      %dma_wait3A_26 = tpu.memref_squeeze %dma_wait3A_25 : memref<1x79x128xi32, #tpu.memory_space<hbm>> -> memref<79x128xi32, #tpu.memory_space<hbm>>
      tpu.wait_dma2 semaphore(%run_scoped3A : memref<!tpu.dma_semaphore, #tpu.memory_space<semaphore_mem>>) src(%dma_wait3A_26 : memref<79x128xi32, #tpu.memory_space<hbm>>) dst(%arg7 : memref<79x128xi32, #tpu.memory_space<vmem>>)
      tpu.yield
    }) : () -> ()
    "tpu.region"() ({
      %run_scoped3A = tpu.sem_alloc : memref<!tpu.dma_semaphore, #tpu.memory_space<semaphore_mem>>
      %dma_start3A = arith.constant 0 : i32
      %dma_start3A_13 = arith.constant 0 : i32
      %dma_start3A_14 = tpu.memref_slice %arg4[%add3A, %dma_start3A, %dma_start3A_13] : memref<32x79x128xi32, #tpu.memory_space<hbm>> -> memref<1x79x128xi32, #tpu.memory_space<hbm>>
      %dma_start3A_15 = tpu.memref_squeeze %dma_start3A_14 : memref<1x79x128xi32, #tpu.memory_space<hbm>> -> memref<79x128xi32, #tpu.memory_space<hbm>>
      %dma_start3A_16 = arith.constant 0 : i32
      %dma_start3A_17 = arith.constant 0 : i32
      %dma_start3A_18 = tpu.memref_slice %arg4[%add3A, %dma_start3A_16, %dma_start3A_17] : memref<32x79x128xi32, #tpu.memory_space<hbm>> -> memref<1x79x128xi32, #tpu.memory_space<hbm>>
      %dma_start3A_19 = tpu.memref_squeeze %dma_start3A_18 : memref<1x79x128xi32, #tpu.memory_space<hbm>> -> memref<79x128xi32, #tpu.memory_space<hbm>>
      tpu.enqueue_dma source(%dma_start3A_19 : memref<79x128xi32, #tpu.memory_space<hbm>>) target(%arg8 : memref<79x128xi32, #tpu.memory_space<vmem>>) target_semaphore(%run_scoped3A : memref<!tpu.dma_semaphore, #tpu.memory_space<semaphore_mem>>)
      %dma_wait3A = arith.constant 0 : i32
      %dma_wait3A_20 = arith.constant 0 : i32
      %dma_wait3A_21 = tpu.memref_slice %arg4[%add3A, %dma_wait3A, %dma_wait3A_20] : memref<32x79x128xi32, #tpu.memory_space<hbm>> -> memref<1x79x128xi32, #tpu.memory_space<hbm>>
      %dma_wait3A_22 = tpu.memref_squeeze %dma_wait3A_21 : memref<1x79x128xi32, #tpu.memory_space<hbm>> -> memref<79x128xi32, #tpu.memory_space<hbm>>
      %dma_wait3A_23 = arith.constant 0 : i32
      %dma_wait3A_24 = arith.constant 0 : i32
      %dma_wait3A_25 = tpu.memref_slice %arg4[%add3A, %dma_wait3A_23, %dma_wait3A_24] : memref<32x79x128xi32, #tpu.memory_space<hbm>> -> memref<1x79x128xi32, #tpu.memory_space<hbm>>
      %dma_wait3A_26 = tpu.memref_squeeze %dma_wait3A_25 : memref<1x79x128xi32, #tpu.memory_space<hbm>> -> memref<79x128xi32, #tpu.memory_space<hbm>>
      tpu.wait_dma2 semaphore(%run_scoped3A : memref<!tpu.dma_semaphore, #tpu.memory_space<semaphore_mem>>) src(%dma_wait3A_26 : memref<79x128xi32, #tpu.memory_space<hbm>>) dst(%arg8 : memref<79x128xi32, #tpu.memory_space<vmem>>)
      tpu.yield
    }) : () -> ()
    %barrier3A = arith.constant 0 : index
    tpu.barrier barrier_id(%barrier3A)
    %scan3A = arith.constant 0 : i32
    %scan3A_3 = arith.constant 0 : i32
    %scan3A_4 = arith.constant 79 : i32
    %scan3A_5 = arith.addi %scan3A_3, %scan3A_4 : i32
    %scan3A_6 = arith.constant 1 : i32
    scf.for %scan3A_13 = %scan3A_3 to %scan3A_5 step %scan3A_6  : i32 {
      %dma_start3A = arith.constant 0 : i32
      %dma_start3A_14 = tpu.memref_slice %arg7[%scan3A_13, %dma_start3A] : memref<79x128xi32, #tpu.memory_space<vmem>> -> memref<1x128xi32, #tpu.memory_space<vmem>>
      %dma_start3A_15 = tpu.memref_squeeze %dma_start3A_14 : memref<1x128xi32, #tpu.memory_space<vmem>> -> memref<128xi32, #tpu.memory_space<vmem>>
      %dma_start3A_16 = arith.constant 0 : i32
      %dma_start3A_17 = arith.constant 0 : i32
      %dma_start3A_18 = tpu.memref_slice %arg2[%dma_start3A_16, %dma_start3A_17] : memref<323584x128xf32, #tpu.memory_space<hbm>> -> memref<323584x128xf32, #tpu.memory_space<hbm>>
      tpu.enqueue_indirect_dma source(%dma_start3A_18 : memref<323584x128xf32, #tpu.memory_space<hbm>>) target(%arg9 : memref<128x128xf32, #tpu.memory_space<vmem>>) offsets(%dma_start3A_15 : memref<128xi32, #tpu.memory_space<vmem>>) semaphore(%arg11 : memref<!tpu.dma_semaphore, #tpu.memory_space<semaphore_mem>>)
      %dma_wait3A = arith.constant 0 : i32
      %dma_wait3A_19 = tpu.memref_slice %arg7[%scan3A_13, %dma_wait3A] : memref<79x128xi32, #tpu.memory_space<vmem>> -> memref<1x128xi32, #tpu.memory_space<vmem>>
      %dma_wait3A_20 = tpu.memref_squeeze %dma_wait3A_19 : memref<1x128xi32, #tpu.memory_space<vmem>> -> memref<128xi32, #tpu.memory_space<vmem>>
      %dma_wait3A_21 = arith.constant 0 : i32
      %dma_wait3A_22 = arith.constant 0 : i32
      %dma_wait3A_23 = tpu.memref_slice %arg2[%dma_wait3A_21, %dma_wait3A_22] : memref<323584x128xf32, #tpu.memory_space<hbm>> -> memref<323584x128xf32, #tpu.memory_space<hbm>>
      tpu.wait_indirect_dma semaphore(%arg11 : memref<!tpu.dma_semaphore, #tpu.memory_space<semaphore_mem>>) src(%dma_wait3A_23 : memref<323584x128xf32, #tpu.memory_space<hbm>>) dst(%arg9 : memref<128x128xf32, #tpu.memory_space<vmem>>)
      "tpu.region"() ({
        %run_scoped3A = tpu.sem_alloc : memref<!tpu.dma_semaphore, #tpu.memory_space<semaphore_mem>>
        %dma_start3A_24 = arith.constant 0 : i32
        %dma_start3A_25 = tpu.memref_slice %arg8[%scan3A_13, %dma_start3A_24] : memref<79x128xi32, #tpu.memory_space<vmem>> -> memref<1x128xi32, #tpu.memory_space<vmem>>
        %dma_start3A_26 = tpu.memref_squeeze %dma_start3A_25 : memref<1x128xi32, #tpu.memory_space<vmem>> -> memref<128xi32, #tpu.memory_space<vmem>>
        %dma_start3A_27 = arith.constant 0 : i32
        %dma_start3A_28 = arith.constant 0 : i32
        %dma_start3A_29 = tpu.memref_slice %arg10[%dma_start3A_27, %dma_start3A_28] : memref<10240x128xf32, #tpu.memory_space<vmem_shared>> -> memref<10240x128xf32, #tpu.memory_space<vmem_shared>>
        tpu.enqueue_indirect_dma source(%arg9 : memref<128x128xf32, #tpu.memory_space<vmem>>) target(%dma_start3A_29 : memref<10240x128xf32, #tpu.memory_space<vmem_shared>>) offsets(%dma_start3A_26 : memref<128xi32, #tpu.memory_space<vmem>>) semaphore(%run_scoped3A : memref<!tpu.dma_semaphore, #tpu.memory_space<semaphore_mem>>) {add = true}
        %dma_wait3A_30 = arith.constant 0 : i32
        %dma_wait3A_31 = tpu.memref_slice %arg8[%scan3A_13, %dma_wait3A_30] : memref<79x128xi32, #tpu.memory_space<vmem>> -> memref<1x128xi32, #tpu.memory_space<vmem>>
        %dma_wait3A_32 = tpu.memref_squeeze %dma_wait3A_31 : memref<1x128xi32, #tpu.memory_space<vmem>> -> memref<128xi32, #tpu.memory_space<vmem>>
        %dma_wait3A_33 = arith.constant 0 : i32
        %dma_wait3A_34 = arith.constant 0 : i32
        %dma_wait3A_35 = tpu.memref_slice %arg10[%dma_wait3A_33, %dma_wait3A_34] : memref<10240x128xf32, #tpu.memory_space<vmem_shared>> -> memref<10240x128xf32, #tpu.memory_space<vmem_shared>>
        tpu.wait_indirect_dma semaphore(%run_scoped3A : memref<!tpu.dma_semaphore, #tpu.memory_space<semaphore_mem>>) src(%arg9 : memref<128x128xf32, #tpu.memory_space<vmem>>) dst(%dma_wait3A_35 : memref<10240x128xf32, #tpu.memory_space<vmem_shared>>)
        tpu.yield
      }) : () -> ()
    }
    %scan3A_7 = arith.constant 79 : i32
    %barrier3A_8 = arith.constant 0 : index
    tpu.barrier barrier_id(%barrier3A_8)
    %mul3A_9 = arith.constant 640 : i32
    %mul3A_10 = arith.muli %arg1, %mul3A_9 : i32
    %mul3A_11 = arith.constant 640 : i32
    %mul3A_12 = arith.muli %arg1, %mul3A_11 : i32
    "tpu.region"() ({
      %run_scoped3A = tpu.sem_alloc : memref<!tpu.dma_semaphore, #tpu.memory_space<semaphore_mem>>
      %dma_start3A = arith.constant 0 : i32
      %dma_start3A_13 = tpu.memref_slice %arg6[%arg0, %mul3A_12, %dma_start3A] : memref<2x10240x128xf32, #tpu.memory_space<hbm>> -> memref<1x640x128xf32, #tpu.memory_space<hbm>>
      %dma_start3A_14 = tpu.memref_squeeze %dma_start3A_13 : memref<1x640x128xf32, #tpu.memory_space<hbm>> -> memref<640x128xf32, #tpu.memory_space<hbm>>
      %dma_start3A_15 = arith.constant 0 : i32
      %dma_start3A_16 = tpu.memref_slice %arg10[%mul3A_10, %dma_start3A_15] : memref<10240x128xf32, #tpu.memory_space<vmem_shared>> -> memref<640x128xf32, #tpu.memory_space<vmem_shared>>
      tpu.enqueue_dma source(%dma_start3A_16 : memref<640x128xf32, #tpu.memory_space<vmem_shared>>) target(%dma_start3A_14 : memref<640x128xf32, #tpu.memory_space<hbm>>) target_semaphore(%run_scoped3A : memref<!tpu.dma_semaphore, #tpu.memory_space<semaphore_mem>>)
      %dma_wait3A = arith.constant 0 : i32
      %dma_wait3A_17 = tpu.memref_slice %arg6[%arg0, %mul3A_12, %dma_wait3A] : memref<2x10240x128xf32, #tpu.memory_space<hbm>> -> memref<1x640x128xf32, #tpu.memory_space<hbm>>
      %dma_wait3A_18 = tpu.memref_squeeze %dma_wait3A_17 : memref<1x640x128xf32, #tpu.memory_space<hbm>> -> memref<640x128xf32, #tpu.memory_space<hbm>>
      %dma_wait3A_19 = arith.constant 0 : i32
      %dma_wait3A_20 = tpu.memref_slice %arg10[%mul3A_10, %dma_wait3A_19] : memref<10240x128xf32, #tpu.memory_space<vmem_shared>> -> memref<640x128xf32, #tpu.memory_space<vmem_shared>>
      tpu.wait_dma2 semaphore(%run_scoped3A : memref<!tpu.dma_semaphore, #tpu.memory_space<semaphore_mem>>) src(%dma_wait3A_20 : memref<640x128xf32, #tpu.memory_space<vmem_shared>>) dst(%dma_wait3A_18 : memref<640x128xf32, #tpu.memory_space<hbm>>)
      tpu.yield
    }) : () -> ()
    return
  }
}

#map = affine_map<(d0, d1) -> (0, 0)>
#map1 = affine_map<(d0, d1) -> (0, 0, 0)>
module attributes {stable_mosaic.version = 14 : i64} {
  func.func @_p_body(%arg0: i32, %arg1: i32, %arg2: memref<10240x128xf32, #tpu.memory_space<hbm>>, %arg3: memref<32x79x128xi32, #tpu.memory_space<hbm>>, %arg4: memref<32x79x128xi32, #tpu.memory_space<hbm>>, %arg5: memref<640x128xf32, #tpu.memory_space<hbm>>, %arg6: memref<2x10240x128xf32, #tpu.memory_space<hbm>>, %arg7: memref<79x128xi32, #tpu.memory_space<vmem>>, %arg8: memref<79x128xi32, #tpu.memory_space<vmem>>, %arg9: memref<128x128xf32, #tpu.memory_space<vmem>>, %arg10: memref<10240x128xf32, #tpu.memory_space<vmem_shared>>, %arg11: memref<!tpu.dma_semaphore, #tpu.memory_space<semaphore_mem>>) attributes {dimension_semantics = [#tpu.dimension_semantics<core_parallel>, #tpu.dimension_semantics<subcore_parallel>], iteration_bounds = array<i64: 2, 16>, scalar_prefetch = 0 : i64, scratch_operands = 5 : i64, tpu.core_type = #tpu.core_type<sc_vector_subcore>, window_params = [{transform_indices = #map}, {transform_indices = #map1}, {transform_indices = #map1}, {transform_indices = #map}, {transform_indices = #map1}]} {
    %mul3A = arith.constant 16 : i32
    %mul3A_0 = arith.muli %arg0, %mul3A : i32
    %add3A = arith.addi %mul3A_0, %arg1 : i32
    %mul3A_1 = arith.constant 640 : i32
    %mul3A_2 = arith.muli %arg1, %mul3A_1 : i32
    "tpu.region"() ({
      %run_scoped3A = tpu.sem_alloc : memref<!tpu.dma_semaphore, #tpu.memory_space<semaphore_mem>>
      %dma_start3A = arith.constant 0 : i32
      %dma_start3A_13 = tpu.memref_slice %arg10[%mul3A_2, %dma_start3A] : memref<10240x128xf32, #tpu.memory_space<vmem_shared>> -> memref<640x128xf32, #tpu.memory_space<vmem_shared>>
      tpu.enqueue_dma source(%arg5 : memref<640x128xf32, #tpu.memory_space<hbm>>) target(%dma_start3A_13 : memref<640x128xf32, #tpu.memory_space<vmem_shared>>) target_semaphore(%run_scoped3A : memref<!tpu.dma_semaphore, #tpu.memory_space<semaphore_mem>>)
      %dma_wait3A = arith.constant 0 : i32
      %dma_wait3A_14 = tpu.memref_slice %arg10[%mul3A_2, %dma_wait3A] : memref<10240x128xf32, #tpu.memory_space<vmem_shared>> -> memref<640x128xf32, #tpu.memory_space<vmem_shared>>
      tpu.wait_dma2 semaphore(%run_scoped3A : memref<!tpu.dma_semaphore, #tpu.memory_space<semaphore_mem>>) src(%arg5 : memref<640x128xf32, #tpu.memory_space<hbm>>) dst(%dma_wait3A_14 : memref<640x128xf32, #tpu.memory_space<vmem_shared>>)
      tpu.yield
    }) : () -> ()
    "tpu.region"() ({
      %run_scoped3A = tpu.sem_alloc : memref<!tpu.dma_semaphore, #tpu.memory_space<semaphore_mem>>
      %dma_start3A = arith.constant 0 : i32
      %dma_start3A_13 = arith.constant 0 : i32
      %dma_start3A_14 = tpu.memref_slice %arg3[%add3A, %dma_start3A, %dma_start3A_13] : memref<32x79x128xi32, #tpu.memory_space<hbm>> -> memref<1x79x128xi32, #tpu.memory_space<hbm>>
      %dma_start3A_15 = tpu.memref_squeeze %dma_start3A_14 : memref<1x79x128xi32, #tpu.memory_space<hbm>> -> memref<79x128xi32, #tpu.memory_space<hbm>>
      %dma_start3A_16 = arith.constant 0 : i32
      %dma_start3A_17 = arith.constant 0 : i32
      %dma_start3A_18 = tpu.memref_slice %arg3[%add3A, %dma_start3A_16, %dma_start3A_17] : memref<32x79x128xi32, #tpu.memory_space<hbm>> -> memref<1x79x128xi32, #tpu.memory_space<hbm>>
      %dma_start3A_19 = tpu.memref_squeeze %dma_start3A_18 : memref<1x79x128xi32, #tpu.memory_space<hbm>> -> memref<79x128xi32, #tpu.memory_space<hbm>>
      tpu.enqueue_dma source(%dma_start3A_19 : memref<79x128xi32, #tpu.memory_space<hbm>>) target(%arg7 : memref<79x128xi32, #tpu.memory_space<vmem>>) target_semaphore(%run_scoped3A : memref<!tpu.dma_semaphore, #tpu.memory_space<semaphore_mem>>)
      %dma_wait3A = arith.constant 0 : i32
      %dma_wait3A_20 = arith.constant 0 : i32
      %dma_wait3A_21 = tpu.memref_slice %arg3[%add3A, %dma_wait3A, %dma_wait3A_20] : memref<32x79x128xi32, #tpu.memory_space<hbm>> -> memref<1x79x128xi32, #tpu.memory_space<hbm>>
      %dma_wait3A_22 = tpu.memref_squeeze %dma_wait3A_21 : memref<1x79x128xi32, #tpu.memory_space<hbm>> -> memref<79x128xi32, #tpu.memory_space<hbm>>
      %dma_wait3A_23 = arith.constant 0 : i32
      %dma_wait3A_24 = arith.constant 0 : i32
      %dma_wait3A_25 = tpu.memref_slice %arg3[%add3A, %dma_wait3A_23, %dma_wait3A_24] : memref<32x79x128xi32, #tpu.memory_space<hbm>> -> memref<1x79x128xi32, #tpu.memory_space<hbm>>
      %dma_wait3A_26 = tpu.memref_squeeze %dma_wait3A_25 : memref<1x79x128xi32, #tpu.memory_space<hbm>> -> memref<79x128xi32, #tpu.memory_space<hbm>>
      tpu.wait_dma2 semaphore(%run_scoped3A : memref<!tpu.dma_semaphore, #tpu.memory_space<semaphore_mem>>) src(%dma_wait3A_26 : memref<79x128xi32, #tpu.memory_space<hbm>>) dst(%arg7 : memref<79x128xi32, #tpu.memory_space<vmem>>)
      tpu.yield
    }) : () -> ()
    "tpu.region"() ({
      %run_scoped3A = tpu.sem_alloc : memref<!tpu.dma_semaphore, #tpu.memory_space<semaphore_mem>>
      %dma_start3A = arith.constant 0 : i32
      %dma_start3A_13 = arith.constant 0 : i32
      %dma_start3A_14 = tpu.memref_slice %arg4[%add3A, %dma_start3A, %dma_start3A_13] : memref<32x79x128xi32, #tpu.memory_space<hbm>> -> memref<1x79x128xi32, #tpu.memory_space<hbm>>
      %dma_start3A_15 = tpu.memref_squeeze %dma_start3A_14 : memref<1x79x128xi32, #tpu.memory_space<hbm>> -> memref<79x128xi32, #tpu.memory_space<hbm>>
      %dma_start3A_16 = arith.constant 0 : i32
      %dma_start3A_17 = arith.constant 0 : i32
      %dma_start3A_18 = tpu.memref_slice %arg4[%add3A, %dma_start3A_16, %dma_start3A_17] : memref<32x79x128xi32, #tpu.memory_space<hbm>> -> memref<1x79x128xi32, #tpu.memory_space<hbm>>
      %dma_start3A_19 = tpu.memref_squeeze %dma_start3A_18 : memref<1x79x128xi32, #tpu.memory_space<hbm>> -> memref<79x128xi32, #tpu.memory_space<hbm>>
      tpu.enqueue_dma source(%dma_start3A_19 : memref<79x128xi32, #tpu.memory_space<hbm>>) target(%arg8 : memref<79x128xi32, #tpu.memory_space<vmem>>) target_semaphore(%run_scoped3A : memref<!tpu.dma_semaphore, #tpu.memory_space<semaphore_mem>>)
      %dma_wait3A = arith.constant 0 : i32
      %dma_wait3A_20 = arith.constant 0 : i32
      %dma_wait3A_21 = tpu.memref_slice %arg4[%add3A, %dma_wait3A, %dma_wait3A_20] : memref<32x79x128xi32, #tpu.memory_space<hbm>> -> memref<1x79x128xi32, #tpu.memory_space<hbm>>
      %dma_wait3A_22 = tpu.memref_squeeze %dma_wait3A_21 : memref<1x79x128xi32, #tpu.memory_space<hbm>> -> memref<79x128xi32, #tpu.memory_space<hbm>>
      %dma_wait3A_23 = arith.constant 0 : i32
      %dma_wait3A_24 = arith.constant 0 : i32
      %dma_wait3A_25 = tpu.memref_slice %arg4[%add3A, %dma_wait3A_23, %dma_wait3A_24] : memref<32x79x128xi32, #tpu.memory_space<hbm>> -> memref<1x79x128xi32, #tpu.memory_space<hbm>>
      %dma_wait3A_26 = tpu.memref_squeeze %dma_wait3A_25 : memref<1x79x128xi32, #tpu.memory_space<hbm>> -> memref<79x128xi32, #tpu.memory_space<hbm>>
      tpu.wait_dma2 semaphore(%run_scoped3A : memref<!tpu.dma_semaphore, #tpu.memory_space<semaphore_mem>>) src(%dma_wait3A_26 : memref<79x128xi32, #tpu.memory_space<hbm>>) dst(%arg8 : memref<79x128xi32, #tpu.memory_space<vmem>>)
      tpu.yield
    }) : () -> ()
    %barrier3A = arith.constant 0 : index
    tpu.barrier barrier_id(%barrier3A)
    %scan3A = arith.constant 0 : i32
    %scan3A_3 = arith.constant 0 : i32
    %scan3A_4 = arith.constant 79 : i32
    %scan3A_5 = arith.addi %scan3A_3, %scan3A_4 : i32
    %scan3A_6 = arith.constant 1 : i32
    scf.for %scan3A_13 = %scan3A_3 to %scan3A_5 step %scan3A_6  : i32 {
      %dma_start3A = arith.constant 0 : i32
      %dma_start3A_14 = tpu.memref_slice %arg7[%scan3A_13, %dma_start3A] : memref<79x128xi32, #tpu.memory_space<vmem>> -> memref<1x128xi32, #tpu.memory_space<vmem>>
      %dma_start3A_15 = tpu.memref_squeeze %dma_start3A_14 : memref<1x128xi32, #tpu.memory_space<vmem>> -> memref<128xi32, #tpu.memory_space<vmem>>
      %dma_start3A_16 = arith.constant 0 : i32
      %dma_start3A_17 = arith.constant 0 : i32
      %dma_start3A_18 = tpu.memref_slice %arg2[%dma_start3A_16, %dma_start3A_17] : memref<10240x128xf32, #tpu.memory_space<hbm>> -> memref<10240x128xf32, #tpu.memory_space<hbm>>
      tpu.enqueue_indirect_dma source(%dma_start3A_18 : memref<10240x128xf32, #tpu.memory_space<hbm>>) target(%arg9 : memref<128x128xf32, #tpu.memory_space<vmem>>) offsets(%dma_start3A_15 : memref<128xi32, #tpu.memory_space<vmem>>) semaphore(%arg11 : memref<!tpu.dma_semaphore, #tpu.memory_space<semaphore_mem>>)
      %dma_wait3A = arith.constant 0 : i32
      %dma_wait3A_19 = tpu.memref_slice %arg7[%scan3A_13, %dma_wait3A] : memref<79x128xi32, #tpu.memory_space<vmem>> -> memref<1x128xi32, #tpu.memory_space<vmem>>
      %dma_wait3A_20 = tpu.memref_squeeze %dma_wait3A_19 : memref<1x128xi32, #tpu.memory_space<vmem>> -> memref<128xi32, #tpu.memory_space<vmem>>
      %dma_wait3A_21 = arith.constant 0 : i32
      %dma_wait3A_22 = arith.constant 0 : i32
      %dma_wait3A_23 = tpu.memref_slice %arg2[%dma_wait3A_21, %dma_wait3A_22] : memref<10240x128xf32, #tpu.memory_space<hbm>> -> memref<10240x128xf32, #tpu.memory_space<hbm>>
      tpu.wait_indirect_dma semaphore(%arg11 : memref<!tpu.dma_semaphore, #tpu.memory_space<semaphore_mem>>) src(%dma_wait3A_23 : memref<10240x128xf32, #tpu.memory_space<hbm>>) dst(%arg9 : memref<128x128xf32, #tpu.memory_space<vmem>>)
      "tpu.region"() ({
        %run_scoped3A = tpu.sem_alloc : memref<!tpu.dma_semaphore, #tpu.memory_space<semaphore_mem>>
        %dma_start3A_24 = arith.constant 0 : i32
        %dma_start3A_25 = tpu.memref_slice %arg8[%scan3A_13, %dma_start3A_24] : memref<79x128xi32, #tpu.memory_space<vmem>> -> memref<1x128xi32, #tpu.memory_space<vmem>>
        %dma_start3A_26 = tpu.memref_squeeze %dma_start3A_25 : memref<1x128xi32, #tpu.memory_space<vmem>> -> memref<128xi32, #tpu.memory_space<vmem>>
        %dma_start3A_27 = arith.constant 0 : i32
        %dma_start3A_28 = arith.constant 0 : i32
        %dma_start3A_29 = tpu.memref_slice %arg10[%dma_start3A_27, %dma_start3A_28] : memref<10240x128xf32, #tpu.memory_space<vmem_shared>> -> memref<10240x128xf32, #tpu.memory_space<vmem_shared>>
        tpu.enqueue_indirect_dma source(%arg9 : memref<128x128xf32, #tpu.memory_space<vmem>>) target(%dma_start3A_29 : memref<10240x128xf32, #tpu.memory_space<vmem_shared>>) offsets(%dma_start3A_26 : memref<128xi32, #tpu.memory_space<vmem>>) semaphore(%run_scoped3A : memref<!tpu.dma_semaphore, #tpu.memory_space<semaphore_mem>>) {add = true}
        %dma_wait3A_30 = arith.constant 0 : i32
        %dma_wait3A_31 = tpu.memref_slice %arg8[%scan3A_13, %dma_wait3A_30] : memref<79x128xi32, #tpu.memory_space<vmem>> -> memref<1x128xi32, #tpu.memory_space<vmem>>
        %dma_wait3A_32 = tpu.memref_squeeze %dma_wait3A_31 : memref<1x128xi32, #tpu.memory_space<vmem>> -> memref<128xi32, #tpu.memory_space<vmem>>
        %dma_wait3A_33 = arith.constant 0 : i32
        %dma_wait3A_34 = arith.constant 0 : i32
        %dma_wait3A_35 = tpu.memref_slice %arg10[%dma_wait3A_33, %dma_wait3A_34] : memref<10240x128xf32, #tpu.memory_space<vmem_shared>> -> memref<10240x128xf32, #tpu.memory_space<vmem_shared>>
        tpu.wait_indirect_dma semaphore(%run_scoped3A : memref<!tpu.dma_semaphore, #tpu.memory_space<semaphore_mem>>) src(%arg9 : memref<128x128xf32, #tpu.memory_space<vmem>>) dst(%dma_wait3A_35 : memref<10240x128xf32, #tpu.memory_space<vmem_shared>>)
        tpu.yield
      }) : () -> ()
    }
    %scan3A_7 = arith.constant 79 : i32
    %barrier3A_8 = arith.constant 0 : index
    tpu.barrier barrier_id(%barrier3A_8)
    %mul3A_9 = arith.constant 640 : i32
    %mul3A_10 = arith.muli %arg1, %mul3A_9 : i32
    %mul3A_11 = arith.constant 640 : i32
    %mul3A_12 = arith.muli %arg1, %mul3A_11 : i32
    "tpu.region"() ({
      %run_scoped3A = tpu.sem_alloc : memref<!tpu.dma_semaphore, #tpu.memory_space<semaphore_mem>>
      %dma_start3A = arith.constant 0 : i32
      %dma_start3A_13 = tpu.memref_slice %arg6[%arg0, %mul3A_12, %dma_start3A] : memref<2x10240x128xf32, #tpu.memory_space<hbm>> -> memref<1x640x128xf32, #tpu.memory_space<hbm>>
      %dma_start3A_14 = tpu.memref_squeeze %dma_start3A_13 : memref<1x640x128xf32, #tpu.memory_space<hbm>> -> memref<640x128xf32, #tpu.memory_space<hbm>>
      %dma_start3A_15 = arith.constant 0 : i32
      %dma_start3A_16 = tpu.memref_slice %arg10[%mul3A_10, %dma_start3A_15] : memref<10240x128xf32, #tpu.memory_space<vmem_shared>> -> memref<640x128xf32, #tpu.memory_space<vmem_shared>>
      tpu.enqueue_dma source(%dma_start3A_16 : memref<640x128xf32, #tpu.memory_space<vmem_shared>>) target(%dma_start3A_14 : memref<640x128xf32, #tpu.memory_space<hbm>>) target_semaphore(%run_scoped3A : memref<!tpu.dma_semaphore, #tpu.memory_space<semaphore_mem>>)
      %dma_wait3A = arith.constant 0 : i32
      %dma_wait3A_17 = tpu.memref_slice %arg6[%arg0, %mul3A_12, %dma_wait3A] : memref<2x10240x128xf32, #tpu.memory_space<hbm>> -> memref<1x640x128xf32, #tpu.memory_space<hbm>>
      %dma_wait3A_18 = tpu.memref_squeeze %dma_wait3A_17 : memref<1x640x128xf32, #tpu.memory_space<hbm>> -> memref<640x128xf32, #tpu.memory_space<hbm>>
      %dma_wait3A_19 = arith.constant 0 : i32
      %dma_wait3A_20 = tpu.memref_slice %arg10[%mul3A_10, %dma_wait3A_19] : memref<10240x128xf32, #tpu.memory_space<vmem_shared>> -> memref<640x128xf32, #tpu.memory_space<vmem_shared>>
      tpu.wait_dma2 semaphore(%run_scoped3A : memref<!tpu.dma_semaphore, #tpu.memory_space<semaphore_mem>>) src(%dma_wait3A_20 : memref<640x128xf32, #tpu.memory_space<vmem_shared>>) dst(%dma_wait3A_18 : memref<640x128xf32, #tpu.memory_space<hbm>>)
      tpu.yield
    }) : () -> ()
    return
  }
}

#map = affine_map<(d0, d1) -> (0, 0)>
#map1 = affine_map<(d0, d1) -> (0, 0, 0)>
module attributes {stable_mosaic.version = 14 : i64} {
  func.func @_p_body(%arg0: i32, %arg1: i32, %arg2: memref<10240x128xf32, #tpu.memory_space<hbm>>, %arg3: memref<32x79x128xi32, #tpu.memory_space<hbm>>, %arg4: memref<32x79x128xi32, #tpu.memory_space<hbm>>, %arg5: memref<640x128xf32, #tpu.memory_space<hbm>>, %arg6: memref<2x10240x128xf32, #tpu.memory_space<hbm>>, %arg7: memref<79x128xi32, #tpu.memory_space<vmem>>, %arg8: memref<79x128xi32, #tpu.memory_space<vmem>>, %arg9: memref<128x128xf32, #tpu.memory_space<vmem>>, %arg10: memref<10240x128xf32, #tpu.memory_space<vmem_shared>>, %arg11: memref<!tpu.dma_semaphore, #tpu.memory_space<semaphore_mem>>) attributes {dimension_semantics = [#tpu.dimension_semantics<core_parallel>, #tpu.dimension_semantics<subcore_parallel>], iteration_bounds = array<i64: 2, 16>, scalar_prefetch = 0 : i64, scratch_operands = 5 : i64, tpu.core_type = #tpu.core_type<sc_vector_subcore>, window_params = [{transform_indices = #map}, {transform_indices = #map1}, {transform_indices = #map1}, {transform_indices = #map}, {transform_indices = #map1}]} {
    %mul3A = arith.constant 16 : i32
    %mul3A_0 = arith.muli %arg0, %mul3A : i32
    %add3A = arith.addi %mul3A_0, %arg1 : i32
    %mul3A_1 = arith.constant 640 : i32
    %mul3A_2 = arith.muli %arg1, %mul3A_1 : i32
    "tpu.region"() ({
      %run_scoped3A = tpu.sem_alloc : memref<!tpu.dma_semaphore, #tpu.memory_space<semaphore_mem>>
      %dma_start3A = arith.constant 0 : i32
      %dma_start3A_13 = tpu.memref_slice %arg10[%mul3A_2, %dma_start3A] : memref<10240x128xf32, #tpu.memory_space<vmem_shared>> -> memref<640x128xf32, #tpu.memory_space<vmem_shared>>
      tpu.enqueue_dma source(%arg5 : memref<640x128xf32, #tpu.memory_space<hbm>>) target(%dma_start3A_13 : memref<640x128xf32, #tpu.memory_space<vmem_shared>>) target_semaphore(%run_scoped3A : memref<!tpu.dma_semaphore, #tpu.memory_space<semaphore_mem>>)
      %dma_wait3A = arith.constant 0 : i32
      %dma_wait3A_14 = tpu.memref_slice %arg10[%mul3A_2, %dma_wait3A] : memref<10240x128xf32, #tpu.memory_space<vmem_shared>> -> memref<640x128xf32, #tpu.memory_space<vmem_shared>>
      tpu.wait_dma2 semaphore(%run_scoped3A : memref<!tpu.dma_semaphore, #tpu.memory_space<semaphore_mem>>) src(%arg5 : memref<640x128xf32, #tpu.memory_space<hbm>>) dst(%dma_wait3A_14 : memref<640x128xf32, #tpu.memory_space<vmem_shared>>)
      tpu.yield
    }) : () -> ()
    "tpu.region"() ({
      %run_scoped3A = tpu.sem_alloc : memref<!tpu.dma_semaphore, #tpu.memory_space<semaphore_mem>>
      %dma_start3A = arith.constant 0 : i32
      %dma_start3A_13 = arith.constant 0 : i32
      %dma_start3A_14 = tpu.memref_slice %arg3[%add3A, %dma_start3A, %dma_start3A_13] : memref<32x79x128xi32, #tpu.memory_space<hbm>> -> memref<1x79x128xi32, #tpu.memory_space<hbm>>
      %dma_start3A_15 = tpu.memref_squeeze %dma_start3A_14 : memref<1x79x128xi32, #tpu.memory_space<hbm>> -> memref<79x128xi32, #tpu.memory_space<hbm>>
      %dma_start3A_16 = arith.constant 0 : i32
      %dma_start3A_17 = arith.constant 0 : i32
      %dma_start3A_18 = tpu.memref_slice %arg3[%add3A, %dma_start3A_16, %dma_start3A_17] : memref<32x79x128xi32, #tpu.memory_space<hbm>> -> memref<1x79x128xi32, #tpu.memory_space<hbm>>
      %dma_start3A_19 = tpu.memref_squeeze %dma_start3A_18 : memref<1x79x128xi32, #tpu.memory_space<hbm>> -> memref<79x128xi32, #tpu.memory_space<hbm>>
      tpu.enqueue_dma source(%dma_start3A_19 : memref<79x128xi32, #tpu.memory_space<hbm>>) target(%arg7 : memref<79x128xi32, #tpu.memory_space<vmem>>) target_semaphore(%run_scoped3A : memref<!tpu.dma_semaphore, #tpu.memory_space<semaphore_mem>>)
      %dma_wait3A = arith.constant 0 : i32
      %dma_wait3A_20 = arith.constant 0 : i32
      %dma_wait3A_21 = tpu.memref_slice %arg3[%add3A, %dma_wait3A, %dma_wait3A_20] : memref<32x79x128xi32, #tpu.memory_space<hbm>> -> memref<1x79x128xi32, #tpu.memory_space<hbm>>
      %dma_wait3A_22 = tpu.memref_squeeze %dma_wait3A_21 : memref<1x79x128xi32, #tpu.memory_space<hbm>> -> memref<79x128xi32, #tpu.memory_space<hbm>>
      %dma_wait3A_23 = arith.constant 0 : i32
      %dma_wait3A_24 = arith.constant 0 : i32
      %dma_wait3A_25 = tpu.memref_slice %arg3[%add3A, %dma_wait3A_23, %dma_wait3A_24] : memref<32x79x128xi32, #tpu.memory_space<hbm>> -> memref<1x79x128xi32, #tpu.memory_space<hbm>>
      %dma_wait3A_26 = tpu.memref_squeeze %dma_wait3A_25 : memref<1x79x128xi32, #tpu.memory_space<hbm>> -> memref<79x128xi32, #tpu.memory_space<hbm>>
      tpu.wait_dma2 semaphore(%run_scoped3A : memref<!tpu.dma_semaphore, #tpu.memory_space<semaphore_mem>>) src(%dma_wait3A_26 : memref<79x128xi32, #tpu.memory_space<hbm>>) dst(%arg7 : memref<79x128xi32, #tpu.memory_space<vmem>>)
      tpu.yield
    }) : () -> ()
    "tpu.region"() ({
      %run_scoped3A = tpu.sem_alloc : memref<!tpu.dma_semaphore, #tpu.memory_space<semaphore_mem>>
      %dma_start3A = arith.constant 0 : i32
      %dma_start3A_13 = arith.constant 0 : i32
      %dma_start3A_14 = tpu.memref_slice %arg4[%add3A, %dma_start3A, %dma_start3A_13] : memref<32x79x128xi32, #tpu.memory_space<hbm>> -> memref<1x79x128xi32, #tpu.memory_space<hbm>>
      %dma_start3A_15 = tpu.memref_squeeze %dma_start3A_14 : memref<1x79x128xi32, #tpu.memory_space<hbm>> -> memref<79x128xi32, #tpu.memory_space<hbm>>
      %dma_start3A_16 = arith.constant 0 : i32
      %dma_start3A_17 = arith.constant 0 : i32
      %dma_start3A_18 = tpu.memref_slice %arg4[%add3A, %dma_start3A_16, %dma_start3A_17] : memref<32x79x128xi32, #tpu.memory_space<hbm>> -> memref<1x79x128xi32, #tpu.memory_space<hbm>>
      %dma_start3A_19 = tpu.memref_squeeze %dma_start3A_18 : memref<1x79x128xi32, #tpu.memory_space<hbm>> -> memref<79x128xi32, #tpu.memory_space<hbm>>
      tpu.enqueue_dma source(%dma_start3A_19 : memref<79x128xi32, #tpu.memory_space<hbm>>) target(%arg8 : memref<79x128xi32, #tpu.memory_space<vmem>>) target_semaphore(%run_scoped3A : memref<!tpu.dma_semaphore, #tpu.memory_space<semaphore_mem>>)
      %dma_wait3A = arith.constant 0 : i32
      %dma_wait3A_20 = arith.constant 0 : i32
      %dma_wait3A_21 = tpu.memref_slice %arg4[%add3A, %dma_wait3A, %dma_wait3A_20] : memref<32x79x128xi32, #tpu.memory_space<hbm>> -> memref<1x79x128xi32, #tpu.memory_space<hbm>>
      %dma_wait3A_22 = tpu.memref_squeeze %dma_wait3A_21 : memref<1x79x128xi32, #tpu.memory_space<hbm>> -> memref<79x128xi32, #tpu.memory_space<hbm>>
      %dma_wait3A_23 = arith.constant 0 : i32
      %dma_wait3A_24 = arith.constant 0 : i32
      %dma_wait3A_25 = tpu.memref_slice %arg4[%add3A, %dma_wait3A_23, %dma_wait3A_24] : memref<32x79x128xi32, #tpu.memory_space<hbm>> -> memref<1x79x128xi32, #tpu.memory_space<hbm>>
      %dma_wait3A_26 = tpu.memref_squeeze %dma_wait3A_25 : memref<1x79x128xi32, #tpu.memory_space<hbm>> -> memref<79x128xi32, #tpu.memory_space<hbm>>
      tpu.wait_dma2 semaphore(%run_scoped3A : memref<!tpu.dma_semaphore, #tpu.memory_space<semaphore_mem>>) src(%dma_wait3A_26 : memref<79x128xi32, #tpu.memory_space<hbm>>) dst(%arg8 : memref<79x128xi32, #tpu.memory_space<vmem>>)
      tpu.yield
    }) : () -> ()
    %barrier3A = arith.constant 0 : index
    tpu.barrier barrier_id(%barrier3A)
    %scan3A = arith.constant 0 : i32
    %scan3A_3 = arith.constant 0 : i32
    %scan3A_4 = arith.constant 79 : i32
    %scan3A_5 = arith.addi %scan3A_3, %scan3A_4 : i32
    %scan3A_6 = arith.constant 1 : i32
    scf.for %scan3A_13 = %scan3A_3 to %scan3A_5 step %scan3A_6  : i32 {
      %dma_start3A = arith.constant 0 : i32
      %dma_start3A_14 = tpu.memref_slice %arg7[%scan3A_13, %dma_start3A] : memref<79x128xi32, #tpu.memory_space<vmem>> -> memref<1x128xi32, #tpu.memory_space<vmem>>
      %dma_start3A_15 = tpu.memref_squeeze %dma_start3A_14 : memref<1x128xi32, #tpu.memory_space<vmem>> -> memref<128xi32, #tpu.memory_space<vmem>>
      %dma_start3A_16 = arith.constant 0 : i32
      %dma_start3A_17 = arith.constant 0 : i32
      %dma_start3A_18 = tpu.memref_slice %arg2[%dma_start3A_16, %dma_start3A_17] : memref<10240x128xf32, #tpu.memory_space<hbm>> -> memref<10240x128xf32, #tpu.memory_space<hbm>>
      tpu.enqueue_indirect_dma source(%dma_start3A_18 : memref<10240x128xf32, #tpu.memory_space<hbm>>) target(%arg9 : memref<128x128xf32, #tpu.memory_space<vmem>>) offsets(%dma_start3A_15 : memref<128xi32, #tpu.memory_space<vmem>>) semaphore(%arg11 : memref<!tpu.dma_semaphore, #tpu.memory_space<semaphore_mem>>)
      %dma_wait3A = arith.constant 0 : i32
      %dma_wait3A_19 = tpu.memref_slice %arg7[%scan3A_13, %dma_wait3A] : memref<79x128xi32, #tpu.memory_space<vmem>> -> memref<1x128xi32, #tpu.memory_space<vmem>>
      %dma_wait3A_20 = tpu.memref_squeeze %dma_wait3A_19 : memref<1x128xi32, #tpu.memory_space<vmem>> -> memref<128xi32, #tpu.memory_space<vmem>>
      %dma_wait3A_21 = arith.constant 0 : i32
      %dma_wait3A_22 = arith.constant 0 : i32
      %dma_wait3A_23 = tpu.memref_slice %arg2[%dma_wait3A_21, %dma_wait3A_22] : memref<10240x128xf32, #tpu.memory_space<hbm>> -> memref<10240x128xf32, #tpu.memory_space<hbm>>
      tpu.wait_indirect_dma semaphore(%arg11 : memref<!tpu.dma_semaphore, #tpu.memory_space<semaphore_mem>>) src(%dma_wait3A_23 : memref<10240x128xf32, #tpu.memory_space<hbm>>) dst(%arg9 : memref<128x128xf32, #tpu.memory_space<vmem>>)
      "tpu.region"() ({
        %run_scoped3A = tpu.sem_alloc : memref<!tpu.dma_semaphore, #tpu.memory_space<semaphore_mem>>
        %dma_start3A_24 = arith.constant 0 : i32
        %dma_start3A_25 = tpu.memref_slice %arg8[%scan3A_13, %dma_start3A_24] : memref<79x128xi32, #tpu.memory_space<vmem>> -> memref<1x128xi32, #tpu.memory_space<vmem>>
        %dma_start3A_26 = tpu.memref_squeeze %dma_start3A_25 : memref<1x128xi32, #tpu.memory_space<vmem>> -> memref<128xi32, #tpu.memory_space<vmem>>
        %dma_start3A_27 = arith.constant 0 : i32
        %dma_start3A_28 = arith.constant 0 : i32
        %dma_start3A_29 = tpu.memref_slice %arg10[%dma_start3A_27, %dma_start3A_28] : memref<10240x128xf32, #tpu.memory_space<vmem_shared>> -> memref<10240x128xf32, #tpu.memory_space<vmem_shared>>
        tpu.enqueue_indirect_dma source(%arg9 : memref<128x128xf32, #tpu.memory_space<vmem>>) target(%dma_start3A_29 : memref<10240x128xf32, #tpu.memory_space<vmem_shared>>) offsets(%dma_start3A_26 : memref<128xi32, #tpu.memory_space<vmem>>) semaphore(%run_scoped3A : memref<!tpu.dma_semaphore, #tpu.memory_space<semaphore_mem>>) {add = true}
        %dma_wait3A_30 = arith.constant 0 : i32
        %dma_wait3A_31 = tpu.memref_slice %arg8[%scan3A_13, %dma_wait3A_30] : memref<79x128xi32, #tpu.memory_space<vmem>> -> memref<1x128xi32, #tpu.memory_space<vmem>>
        %dma_wait3A_32 = tpu.memref_squeeze %dma_wait3A_31 : memref<1x128xi32, #tpu.memory_space<vmem>> -> memref<128xi32, #tpu.memory_space<vmem>>
        %dma_wait3A_33 = arith.constant 0 : i32
        %dma_wait3A_34 = arith.constant 0 : i32
        %dma_wait3A_35 = tpu.memref_slice %arg10[%dma_wait3A_33, %dma_wait3A_34] : memref<10240x128xf32, #tpu.memory_space<vmem_shared>> -> memref<10240x128xf32, #tpu.memory_space<vmem_shared>>
        tpu.wait_indirect_dma semaphore(%run_scoped3A : memref<!tpu.dma_semaphore, #tpu.memory_space<semaphore_mem>>) src(%arg9 : memref<128x128xf32, #tpu.memory_space<vmem>>) dst(%dma_wait3A_35 : memref<10240x128xf32, #tpu.memory_space<vmem_shared>>)
        tpu.yield
      }) : () -> ()
    }
    %scan3A_7 = arith.constant 79 : i32
    %barrier3A_8 = arith.constant 0 : index
    tpu.barrier barrier_id(%barrier3A_8)
    %mul3A_9 = arith.constant 640 : i32
    %mul3A_10 = arith.muli %arg1, %mul3A_9 : i32
    %mul3A_11 = arith.constant 640 : i32
    %mul3A_12 = arith.muli %arg1, %mul3A_11 : i32
    "tpu.region"() ({
      %run_scoped3A = tpu.sem_alloc : memref<!tpu.dma_semaphore, #tpu.memory_space<semaphore_mem>>
      %dma_start3A = arith.constant 0 : i32
      %dma_start3A_13 = tpu.memref_slice %arg6[%arg0, %mul3A_12, %dma_start3A] : memref<2x10240x128xf32, #tpu.memory_space<hbm>> -> memref<1x640x128xf32, #tpu.memory_space<hbm>>
      %dma_start3A_14 = tpu.memref_squeeze %dma_start3A_13 : memref<1x640x128xf32, #tpu.memory_space<hbm>> -> memref<640x128xf32, #tpu.memory_space<hbm>>
      %dma_start3A_15 = arith.constant 0 : i32
      %dma_start3A_16 = tpu.memref_slice %arg10[%mul3A_10, %dma_start3A_15] : memref<10240x128xf32, #tpu.memory_space<vmem_shared>> -> memref<640x128xf32, #tpu.memory_space<vmem_shared>>
      tpu.enqueue_dma source(%dma_start3A_16 : memref<640x128xf32, #tpu.memory_space<vmem_shared>>) target(%dma_start3A_14 : memref<640x128xf32, #tpu.memory_space<hbm>>) target_semaphore(%run_scoped3A : memref<!tpu.dma_semaphore, #tpu.memory_space<semaphore_mem>>)
      %dma_wait3A = arith.constant 0 : i32
      %dma_wait3A_17 = tpu.memref_slice %arg6[%arg0, %mul3A_12, %dma_wait3A] : memref<2x10240x128xf32, #tpu.memory_space<hbm>> -> memref<1x640x128xf32, #tpu.memory_space<hbm>>
      %dma_wait3A_18 = tpu.memref_squeeze %dma_wait3A_17 : memref<1x640x128xf32, #tpu.memory_space<hbm>> -> memref<640x128xf32, #tpu.memory_space<hbm>>
      %dma_wait3A_19 = arith.constant 0 : i32
      %dma_wait3A_20 = tpu.memref_slice %arg10[%mul3A_10, %dma_wait3A_19] : memref<10240x128xf32, #tpu.memory_space<vmem_shared>> -> memref<640x128xf32, #tpu.memory_space<vmem_shared>>
      tpu.wait_dma2 semaphore(%run_scoped3A : memref<!tpu.dma_semaphore, #tpu.memory_space<semaphore_mem>>) src(%dma_wait3A_20 : memref<640x128xf32, #tpu.memory_space<vmem_shared>>) dst(%dma_wait3A_18 : memref<640x128xf32, #tpu.memory_space<hbm>>)
      tpu.yield
    }) : () -> ()
    return
  }
}

module attributes {stable_mosaic.version = 14 : i64} {
  func.func @_dense_body(%arg0: i32, %arg1: memref<512x128xf32, #tpu.memory_space<vmem>>, %arg2: memref<2x512x128xf32, #tpu.memory_space<vmem>>, %arg3: memref<2x512x128xf32, #tpu.memory_space<vmem>>, %arg4: memref<128x128xf32, #tpu.memory_space<vmem>>, %arg5: memref<16x128xf32, #tpu.memory_space<vmem>>, %arg6: memref<128x128xf32, #tpu.memory_space<vmem>>, %arg7: memref<1x128xf32, #tpu.memory_space<vmem>>, %arg8: memref<20x128xf32, #tpu.memory_space<vmem>>, %arg9: memref<512x128xf32, #tpu.memory_space<vmem>>) attributes {dimension_semantics = [#tpu.dimension_semantics<arbitrary>], iteration_bounds = array<i64: 20>, scalar_prefetch = 0 : i64, scratch_operands = 0 : i64, tpu.core_type = #tpu.core_type<tc>, window_params = [{transform_indices = @transform_0, window_bounds = array<i64: 512, 128>}, {transform_indices = @transform_1, window_bounds = array<i64: 2, 512, 128>}, {transform_indices = @transform_2, window_bounds = array<i64: 2, 512, 128>}, {pipeline_mode = #tpu.pipeline_mode<synchronous>, transform_indices = @transform_3, window_bounds = array<i64: 128, 128>}, {pipeline_mode = #tpu.pipeline_mode<synchronous>, transform_indices = @transform_4, window_bounds = array<i64: 16, 128>}, {pipeline_mode = #tpu.pipeline_mode<synchronous>, transform_indices = @transform_5, window_bounds = array<i64: 128, 128>}, {pipeline_mode = #tpu.pipeline_mode<synchronous>, transform_indices = @transform_6, window_bounds = array<i64: 1, 128>}, {pipeline_mode = #tpu.pipeline_mode<synchronous>, transform_indices = @transform_7, window_bounds = array<i64: 20, 128>}, {transform_indices = @transform_8, window_bounds = array<i64: 512, 128>}]} {
    %get3A = arith.constant 0 : index
    %get3A_0 = arith.constant 0 : index
    %get3A_1 = arith.constant 0 : index
    %get3A_2 = vector.load %arg2[%get3A, %get3A_0, %get3A_1] : memref<2x512x128xf32, #tpu.memory_space<vmem>>, vector<1x512x128xf32>
    %get3A_3 = vector.shape_cast %get3A_2 : vector<1x512x128xf32> to vector<512x128xf32>
    %get3A_4 = arith.constant 1 : index
    %get3A_5 = arith.constant 0 : index
    %get3A_6 = arith.constant 0 : index
    %get3A_7 = vector.load %arg2[%get3A_4, %get3A_5, %get3A_6] : memref<2x512x128xf32, #tpu.memory_space<vmem>>, vector<1x512x128xf32>
    %get3A_8 = vector.shape_cast %get3A_7 : vector<1x512x128xf32> to vector<512x128xf32>
    %add3A = arith.addf %get3A_3, %get3A_8 : vector<512x128xf32>
    %get3A_9 = arith.constant 0 : index
    %get3A_10 = arith.constant 0 : index
    %get3A_11 = arith.constant 0 : index
    %get3A_12 = vector.load %arg3[%get3A_9, %get3A_10, %get3A_11] : memref<2x512x128xf32, #tpu.memory_space<vmem>>, vector<1x512x16xf32>
    %get3A_13 = vector.shape_cast %get3A_12 : vector<1x512x16xf32> to vector<512x16xf32>
    %get3A_14 = arith.constant 1 : index
    %get3A_15 = arith.constant 0 : index
    %get3A_16 = arith.constant 0 : index
    %get3A_17 = vector.load %arg3[%get3A_14, %get3A_15, %get3A_16] : memref<2x512x128xf32, #tpu.memory_space<vmem>>, vector<1x512x16xf32>
    %get3A_18 = vector.shape_cast %get3A_17 : vector<1x512x16xf32> to vector<512x16xf32>
    %add3A_19 = arith.addf %get3A_13, %get3A_18 : vector<512x16xf32>
    %slice3A = vector.extract_strided_slice %add3A_19 {offsets = [0, 2], sizes = [512, 1], strides = [1, 1]} : vector<512x16xf32> to vector<512x1xf32>
    %max3A = arith.constant 1.000000e+00 : f32
    %max3A_20 = vector.broadcast %max3A : f32 to vector<512x1xf32>
    %max3A_21 = arith.maximumf %slice3A, %max3A_20 : vector<512x1xf32>
    %div3A = arith.constant 1.000000e+00 : f32
    %div3A_22 = vector.broadcast %div3A : f32 to vector<512x1xf32>
    %div3A_23 = arith.divf %div3A_22, %max3A_21 : vector<512x1xf32>
    %get3A_24 = arith.constant 0 : index
    %get3A_25 = arith.constant 0 : index
    %get3A_26 = vector.load %arg5[%get3A_24, %get3A_25] : memref<16x128xf32, #tpu.memory_space<vmem>>, vector<16x128xf32>
    %dot_general3A = arith.constant dense<0.000000e+00> : vector<512x128xf32>
    %dot_general3A_27 = tpu.matmul %add3A_19, %get3A_26, %dot_general3A {dimension_numbers = #tpu.dot_dimension_numbers<[1], [0], [0], [1], [0, 0, 1, 1], [], []>, transpose_lhs_hint = false} : vector<512x16xf32>, vector<16x128xf32>, vector<512x128xf32> -> vector<512x128xf32>
    %get3A_28 = arith.constant 0 : index
    %get3A_29 = arith.constant 0 : index
    %get3A_30 = vector.load %arg6[%get3A_28, %get3A_29] : memref<128x128xf32, #tpu.memory_space<vmem>>, vector<128x128xf32>
    %dot_general3A_31 = arith.constant dense<0.000000e+00> : vector<512x128xf32>
    %dot_general3A_32 = tpu.matmul %add3A, %get3A_30, %dot_general3A_31 {dimension_numbers = #tpu.dot_dimension_numbers<[1], [0], [0], [1], [0, 0, 1, 1], [], []>, transpose_lhs_hint = false} : vector<512x128xf32>, vector<128x128xf32>, vector<512x128xf32> -> vector<512x128xf32>
    %add3A_33 = arith.addf %dot_general3A_27, %dot_general3A_32 : vector<512x128xf32>
    %mul3A = vector.broadcast %div3A_23 : vector<512x1xf32> to vector<512x128xf32>
    %mul3A_34 = arith.mulf %add3A_33, %mul3A : vector<512x128xf32>
    %get3A_35 = arith.constant 0 : index
    %get3A_36 = arith.constant 0 : index
    %get3A_37 = vector.load %arg1[%get3A_35, %get3A_36] : memref<512x128xf32, #tpu.memory_space<vmem>>, vector<512x128xf32>
    %get3A_38 = arith.constant 0 : index
    %get3A_39 = arith.constant 0 : index
    %get3A_40 = vector.load %arg4[%get3A_38, %get3A_39] : memref<128x128xf32, #tpu.memory_space<vmem>>, vector<128x128xf32>
    %dot_general3A_41 = arith.constant dense<0.000000e+00> : vector<512x128xf32>
    %dot_general3A_42 = tpu.matmul %get3A_37, %get3A_40, %dot_general3A_41 {dimension_numbers = #tpu.dot_dimension_numbers<[1], [0], [0], [1], [0, 0, 1, 1], [], []>, transpose_lhs_hint = false} : vector<512x128xf32>, vector<128x128xf32>, vector<512x128xf32> -> vector<512x128xf32>
    %add3A_43 = arith.addf %mul3A_34, %dot_general3A_42 : vector<512x128xf32>
    %get3A_44 = arith.constant 0 : index
    %get3A_45 = arith.constant 0 : index
    %get3A_46 = vector.load %arg7[%get3A_44, %get3A_45] : memref<1x128xf32, #tpu.memory_space<vmem>>, vector<1x128xf32>
    %add3A_47 = vector.broadcast %get3A_46 : vector<1x128xf32> to vector<512x128xf32>
    %add3A_48 = arith.addf %add3A_43, %add3A_47 : vector<512x128xf32>
    %get3A_49 = arith.constant 0 : index
    %get3A_50 = arith.constant 0 : index
    %get3A_51 = vector.load %arg8[%get3A_49, %get3A_50] : memref<20x128xf32, #tpu.memory_space<vmem>>, vector<20x128xf32>
    %broadcast_in_dim3A = arith.constant 0.000000e+00 : f32
    %broadcast_in_dim3A_52 = vector.broadcast %broadcast_in_dim3A : f32 to vector<512x128xf32>
    %sub3A = arith.constant -3.000000e+00 : f32
    %sub3A_53 = vector.broadcast %sub3A : f32 to vector<512x128xf32>
    %sub3A_54 = arith.subf %add3A_48, %sub3A_53 : vector<512x128xf32>
    %mul3A_55 = arith.constant -5.01388931 : f32
    %mul3A_56 = vector.broadcast %mul3A_55 : f32 to vector<512x128xf32>
    %mul3A_57 = arith.mulf %mul3A_56, %sub3A_54 : vector<512x128xf32>
    %mul3A_58 = arith.mulf %mul3A_57, %sub3A_54 : vector<512x128xf32>
    %exp3A = math.exp %mul3A_58 : vector<512x128xf32>
    %slice3A_59 = vector.extract_strided_slice %get3A_51 {offsets = [0, 0], sizes = [1, 128], strides = [1, 1]} : vector<20x128xf32> to vector<1x128xf32>
    %squeeze3A = vector.shape_cast %slice3A_59 : vector<1x128xf32> to vector<128xf32>
    %broadcast_in_dim3A_60 = vector.shape_cast %squeeze3A : vector<128xf32> to vector<1x128xf32>
    %mul3A_61 = vector.broadcast %broadcast_in_dim3A_60 : vector<1x128xf32> to vector<512x128xf32>
    %mul3A_62 = arith.mulf %exp3A, %mul3A_61 : vector<512x128xf32>
    %add3A_63 = arith.addf %broadcast_in_dim3A_52, %mul3A_62 : vector<512x128xf32>
    %sub3A_64 = arith.constant -2.68421054 : f32
    %sub3A_65 = vector.broadcast %sub3A_64 : f32 to vector<512x128xf32>
    %sub3A_66 = arith.subf %add3A_48, %sub3A_65 : vector<512x128xf32>
    %mul3A_67 = arith.constant -5.01388931 : f32
    %mul3A_68 = vector.broadcast %mul3A_67 : f32 to vector<512x128xf32>
    %mul3A_69 = arith.mulf %mul3A_68, %sub3A_66 : vector<512x128xf32>
    %mul3A_70 = arith.mulf %mul3A_69, %sub3A_66 : vector<512x128xf32>
    %exp3A_71 = math.exp %mul3A_70 : vector<512x128xf32>
    %slice3A_72 = vector.extract_strided_slice %get3A_51 {offsets = [1, 0], sizes = [1, 128], strides = [1, 1]} : vector<20x128xf32> to vector<1x128xf32>
    %squeeze3A_73 = vector.shape_cast %slice3A_72 : vector<1x128xf32> to vector<128xf32>
    %broadcast_in_dim3A_74 = vector.shape_cast %squeeze3A_73 : vector<128xf32> to vector<1x128xf32>
    %mul3A_75 = vector.broadcast %broadcast_in_dim3A_74 : vector<1x128xf32> to vector<512x128xf32>
    %mul3A_76 = arith.mulf %exp3A_71, %mul3A_75 : vector<512x128xf32>
    %add3A_77 = arith.addf %add3A_63, %mul3A_76 : vector<512x128xf32>
    %sub3A_78 = arith.constant -2.36842108 : f32
    %sub3A_79 = vector.broadcast %sub3A_78 : f32 to vector<512x128xf32>
    %sub3A_80 = arith.subf %add3A_48, %sub3A_79 : vector<512x128xf32>
    %mul3A_81 = arith.constant -5.01388931 : f32
    %mul3A_82 = vector.broadcast %mul3A_81 : f32 to vector<512x128xf32>
    %mul3A_83 = arith.mulf %mul3A_82, %sub3A_80 : vector<512x128xf32>
    %mul3A_84 = arith.mulf %mul3A_83, %sub3A_80 : vector<512x128xf32>
    %exp3A_85 = math.exp %mul3A_84 : vector<512x128xf32>
    %slice3A_86 = vector.extract_strided_slice %get3A_51 {offsets = [2, 0], sizes = [1, 128], strides = [1, 1]} : vector<20x128xf32> to vector<1x128xf32>
    %squeeze3A_87 = vector.shape_cast %slice3A_86 : vector<1x128xf32> to vector<128xf32>
    %broadcast_in_dim3A_88 = vector.shape_cast %squeeze3A_87 : vector<128xf32> to vector<1x128xf32>
    %mul3A_89 = vector.broadcast %broadcast_in_dim3A_88 : vector<1x128xf32> to vector<512x128xf32>
    %mul3A_90 = arith.mulf %exp3A_85, %mul3A_89 : vector<512x128xf32>
    %add3A_91 = arith.addf %add3A_77, %mul3A_90 : vector<512x128xf32>
    %sub3A_92 = arith.constant -2.05263162 : f32
    %sub3A_93 = vector.broadcast %sub3A_92 : f32 to vector<512x128xf32>
    %sub3A_94 = arith.subf %add3A_48, %sub3A_93 : vector<512x128xf32>
    %mul3A_95 = arith.constant -5.01388931 : f32
    %mul3A_96 = vector.broadcast %mul3A_95 : f32 to vector<512x128xf32>
    %mul3A_97 = arith.mulf %mul3A_96, %sub3A_94 : vector<512x128xf32>
    %mul3A_98 = arith.mulf %mul3A_97, %sub3A_94 : vector<512x128xf32>
    %exp3A_99 = math.exp %mul3A_98 : vector<512x128xf32>
    %slice3A_100 = vector.extract_strided_slice %get3A_51 {offsets = [3, 0], sizes = [1, 128], strides = [1, 1]} : vector<20x128xf32> to vector<1x128xf32>
    %squeeze3A_101 = vector.shape_cast %slice3A_100 : vector<1x128xf32> to vector<128xf32>
    %broadcast_in_dim3A_102 = vector.shape_cast %squeeze3A_101 : vector<128xf32> to vector<1x128xf32>
    %mul3A_103 = vector.broadcast %broadcast_in_dim3A_102 : vector<1x128xf32> to vector<512x128xf32>
    %mul3A_104 = arith.mulf %exp3A_99, %mul3A_103 : vector<512x128xf32>
    %add3A_105 = arith.addf %add3A_91, %mul3A_104 : vector<512x128xf32>
    %sub3A_106 = arith.constant -1.73684216 : f32
    %sub3A_107 = vector.broadcast %sub3A_106 : f32 to vector<512x128xf32>
    %sub3A_108 = arith.subf %add3A_48, %sub3A_107 : vector<512x128xf32>
    %mul3A_109 = arith.constant -5.01388931 : f32
    %mul3A_110 = vector.broadcast %mul3A_109 : f32 to vector<512x128xf32>
    %mul3A_111 = arith.mulf %mul3A_110, %sub3A_108 : vector<512x128xf32>
    %mul3A_112 = arith.mulf %mul3A_111, %sub3A_108 : vector<512x128xf32>
    %exp3A_113 = math.exp %mul3A_112 : vector<512x128xf32>
    %slice3A_114 = vector.extract_strided_slice %get3A_51 {offsets = [4, 0], sizes = [1, 128], strides = [1, 1]} : vector<20x128xf32> to vector<1x128xf32>
    %squeeze3A_115 = vector.shape_cast %slice3A_114 : vector<1x128xf32> to vector<128xf32>
    %broadcast_in_dim3A_116 = vector.shape_cast %squeeze3A_115 : vector<128xf32> to vector<1x128xf32>
    %mul3A_117 = vector.broadcast %broadcast_in_dim3A_116 : vector<1x128xf32> to vector<512x128xf32>
    %mul3A_118 = arith.mulf %exp3A_113, %mul3A_117 : vector<512x128xf32>
    %add3A_119 = arith.addf %add3A_105, %mul3A_118 : vector<512x128xf32>
    %sub3A_120 = arith.constant -1.42105258 : f32
    %sub3A_121 = vector.broadcast %sub3A_120 : f32 to vector<512x128xf32>
    %sub3A_122 = arith.subf %add3A_48, %sub3A_121 : vector<512x128xf32>
    %mul3A_123 = arith.constant -5.01388931 : f32
    %mul3A_124 = vector.broadcast %mul3A_123 : f32 to vector<512x128xf32>
    %mul3A_125 = arith.mulf %mul3A_124, %sub3A_122 : vector<512x128xf32>
    %mul3A_126 = arith.mulf %mul3A_125, %sub3A_122 : vector<512x128xf32>
    %exp3A_127 = math.exp %mul3A_126 : vector<512x128xf32>
    %slice3A_128 = vector.extract_strided_slice %get3A_51 {offsets = [5, 0], sizes = [1, 128], strides = [1, 1]} : vector<20x128xf32> to vector<1x128xf32>
    %squeeze3A_129 = vector.shape_cast %slice3A_128 : vector<1x128xf32> to vector<128xf32>
    %broadcast_in_dim3A_130 = vector.shape_cast %squeeze3A_129 : vector<128xf32> to vector<1x128xf32>
    %mul3A_131 = vector.broadcast %broadcast_in_dim3A_130 : vector<1x128xf32> to vector<512x128xf32>
    %mul3A_132 = arith.mulf %exp3A_127, %mul3A_131 : vector<512x128xf32>
    %add3A_133 = arith.addf %add3A_119, %mul3A_132 : vector<512x128xf32>
    %sub3A_134 = arith.constant -1.10526311 : f32
    %sub3A_135 = vector.broadcast %sub3A_134 : f32 to vector<512x128xf32>
    %sub3A_136 = arith.subf %add3A_48, %sub3A_135 : vector<512x128xf32>
    %mul3A_137 = arith.constant -5.01388931 : f32
    %mul3A_138 = vector.broadcast %mul3A_137 : f32 to vector<512x128xf32>
    %mul3A_139 = arith.mulf %mul3A_138, %sub3A_136 : vector<512x128xf32>
    %mul3A_140 = arith.mulf %mul3A_139, %sub3A_136 : vector<512x128xf32>
    %exp3A_141 = math.exp %mul3A_140 : vector<512x128xf32>
    %slice3A_142 = vector.extract_strided_slice %get3A_51 {offsets = [6, 0], sizes = [1, 128], strides = [1, 1]} : vector<20x128xf32> to vector<1x128xf32>
    %squeeze3A_143 = vector.shape_cast %slice3A_142 : vector<1x128xf32> to vector<128xf32>
    %broadcast_in_dim3A_144 = vector.shape_cast %squeeze3A_143 : vector<128xf32> to vector<1x128xf32>
    %mul3A_145 = vector.broadcast %broadcast_in_dim3A_144 : vector<1x128xf32> to vector<512x128xf32>
    %mul3A_146 = arith.mulf %exp3A_141, %mul3A_145 : vector<512x128xf32>
    %add3A_147 = arith.addf %add3A_133, %mul3A_146 : vector<512x128xf32>
    %sub3A_148 = arith.constant -0.789473712 : f32
    %sub3A_149 = vector.broadcast %sub3A_148 : f32 to vector<512x128xf32>
    %sub3A_150 = arith.subf %add3A_48, %sub3A_149 : vector<512x128xf32>
    %mul3A_151 = arith.constant -5.01388931 : f32
    %mul3A_152 = vector.broadcast %mul3A_151 : f32 to vector<512x128xf32>
    %mul3A_153 = arith.mulf %mul3A_152, %sub3A_150 : vector<512x128xf32>
    %mul3A_154 = arith.mulf %mul3A_153, %sub3A_150 : vector<512x128xf32>
    %exp3A_155 = math.exp %mul3A_154 : vector<512x128xf32>
    %slice3A_156 = vector.extract_strided_slice %get3A_51 {offsets = [7, 0], sizes = [1, 128], strides = [1, 1]} : vector<20x128xf32> to vector<1x128xf32>
    %squeeze3A_157 = vector.shape_cast %slice3A_156 : vector<1x128xf32> to vector<128xf32>
    %broadcast_in_dim3A_158 = vector.shape_cast %squeeze3A_157 : vector<128xf32> to vector<1x128xf32>
    %mul3A_159 = vector.broadcast %broadcast_in_dim3A_158 : vector<1x128xf32> to vector<512x128xf32>
    %mul3A_160 = arith.mulf %exp3A_155, %mul3A_159 : vector<512x128xf32>
    %add3A_161 = arith.addf %add3A_147, %mul3A_160 : vector<512x128xf32>
    %sub3A_162 = arith.constant -0.473684222 : f32
    %sub3A_163 = vector.broadcast %sub3A_162 : f32 to vector<512x128xf32>
    %sub3A_164 = arith.subf %add3A_48, %sub3A_163 : vector<512x128xf32>
    %mul3A_165 = arith.constant -5.01388931 : f32
    %mul3A_166 = vector.broadcast %mul3A_165 : f32 to vector<512x128xf32>
    %mul3A_167 = arith.mulf %mul3A_166, %sub3A_164 : vector<512x128xf32>
    %mul3A_168 = arith.mulf %mul3A_167, %sub3A_164 : vector<512x128xf32>
    %exp3A_169 = math.exp %mul3A_168 : vector<512x128xf32>
    %slice3A_170 = vector.extract_strided_slice %get3A_51 {offsets = [8, 0], sizes = [1, 128], strides = [1, 1]} : vector<20x128xf32> to vector<1x128xf32>
    %squeeze3A_171 = vector.shape_cast %slice3A_170 : vector<1x128xf32> to vector<128xf32>
    %broadcast_in_dim3A_172 = vector.shape_cast %squeeze3A_171 : vector<128xf32> to vector<1x128xf32>
    %mul3A_173 = vector.broadcast %broadcast_in_dim3A_172 : vector<1x128xf32> to vector<512x128xf32>
    %mul3A_174 = arith.mulf %exp3A_169, %mul3A_173 : vector<512x128xf32>
    %add3A_175 = arith.addf %add3A_161, %mul3A_174 : vector<512x128xf32>
    %sub3A_176 = arith.constant -0.157894731 : f32
    %sub3A_177 = vector.broadcast %sub3A_176 : f32 to vector<512x128xf32>
    %sub3A_178 = arith.subf %add3A_48, %sub3A_177 : vector<512x128xf32>
    %mul3A_179 = arith.constant -5.01388931 : f32
    %mul3A_180 = vector.broadcast %mul3A_179 : f32 to vector<512x128xf32>
    %mul3A_181 = arith.mulf %mul3A_180, %sub3A_178 : vector<512x128xf32>
    %mul3A_182 = arith.mulf %mul3A_181, %sub3A_178 : vector<512x128xf32>
    %exp3A_183 = math.exp %mul3A_182 : vector<512x128xf32>
    %slice3A_184 = vector.extract_strided_slice %get3A_51 {offsets = [9, 0], sizes = [1, 128], strides = [1, 1]} : vector<20x128xf32> to vector<1x128xf32>
    %squeeze3A_185 = vector.shape_cast %slice3A_184 : vector<1x128xf32> to vector<128xf32>
    %broadcast_in_dim3A_186 = vector.shape_cast %squeeze3A_185 : vector<128xf32> to vector<1x128xf32>
    %mul3A_187 = vector.broadcast %broadcast_in_dim3A_186 : vector<1x128xf32> to vector<512x128xf32>
    %mul3A_188 = arith.mulf %exp3A_183, %mul3A_187 : vector<512x128xf32>
    %add3A_189 = arith.addf %add3A_175, %mul3A_188 : vector<512x128xf32>
    %sub3A_190 = arith.constant 0.157894731 : f32
    %sub3A_191 = vector.broadcast %sub3A_190 : f32 to vector<512x128xf32>
    %sub3A_192 = arith.subf %add3A_48, %sub3A_191 : vector<512x128xf32>
    %mul3A_193 = arith.constant -5.01388931 : f32
    %mul3A_194 = vector.broadcast %mul3A_193 : f32 to vector<512x128xf32>
    %mul3A_195 = arith.mulf %mul3A_194, %sub3A_192 : vector<512x128xf32>
    %mul3A_196 = arith.mulf %mul3A_195, %sub3A_192 : vector<512x128xf32>
    %exp3A_197 = math.exp %mul3A_196 : vector<512x128xf32>
    %slice3A_198 = vector.extract_strided_slice %get3A_51 {offsets = [10, 0], sizes = [1, 128], strides = [1, 1]} : vector<20x128xf32> to vector<1x128xf32>
    %squeeze3A_199 = vector.shape_cast %slice3A_198 : vector<1x128xf32> to vector<128xf32>
    %broadcast_in_dim3A_200 = vector.shape_cast %squeeze3A_199 : vector<128xf32> to vector<1x128xf32>
    %mul3A_201 = vector.broadcast %broadcast_in_dim3A_200 : vector<1x128xf32> to vector<512x128xf32>
    %mul3A_202 = arith.mulf %exp3A_197, %mul3A_201 : vector<512x128xf32>
    %add3A_203 = arith.addf %add3A_189, %mul3A_202 : vector<512x128xf32>
    %sub3A_204 = arith.constant 0.473684222 : f32
    %sub3A_205 = vector.broadcast %sub3A_204 : f32 to vector<512x128xf32>
    %sub3A_206 = arith.subf %add3A_48, %sub3A_205 : vector<512x128xf32>
    %mul3A_207 = arith.constant -5.01388931 : f32
    %mul3A_208 = vector.broadcast %mul3A_207 : f32 to vector<512x128xf32>
    %mul3A_209 = arith.mulf %mul3A_208, %sub3A_206 : vector<512x128xf32>
    %mul3A_210 = arith.mulf %mul3A_209, %sub3A_206 : vector<512x128xf32>
    %exp3A_211 = math.exp %mul3A_210 : vector<512x128xf32>
    %slice3A_212 = vector.extract_strided_slice %get3A_51 {offsets = [11, 0], sizes = [1, 128], strides = [1, 1]} : vector<20x128xf32> to vector<1x128xf32>
    %squeeze3A_213 = vector.shape_cast %slice3A_212 : vector<1x128xf32> to vector<128xf32>
    %broadcast_in_dim3A_214 = vector.shape_cast %squeeze3A_213 : vector<128xf32> to vector<1x128xf32>
    %mul3A_215 = vector.broadcast %broadcast_in_dim3A_214 : vector<1x128xf32> to vector<512x128xf32>
    %mul3A_216 = arith.mulf %exp3A_211, %mul3A_215 : vector<512x128xf32>
    %add3A_217 = arith.addf %add3A_203, %mul3A_216 : vector<512x128xf32>
    %sub3A_218 = arith.constant 0.789473712 : f32
    %sub3A_219 = vector.broadcast %sub3A_218 : f32 to vector<512x128xf32>
    %sub3A_220 = arith.subf %add3A_48, %sub3A_219 : vector<512x128xf32>
    %mul3A_221 = arith.constant -5.01388931 : f32
    %mul3A_222 = vector.broadcast %mul3A_221 : f32 to vector<512x128xf32>
    %mul3A_223 = arith.mulf %mul3A_222, %sub3A_220 : vector<512x128xf32>
    %mul3A_224 = arith.mulf %mul3A_223, %sub3A_220 : vector<512x128xf32>
    %exp3A_225 = math.exp %mul3A_224 : vector<512x128xf32>
    %slice3A_226 = vector.extract_strided_slice %get3A_51 {offsets = [12, 0], sizes = [1, 128], strides = [1, 1]} : vector<20x128xf32> to vector<1x128xf32>
    %squeeze3A_227 = vector.shape_cast %slice3A_226 : vector<1x128xf32> to vector<128xf32>
    %broadcast_in_dim3A_228 = vector.shape_cast %squeeze3A_227 : vector<128xf32> to vector<1x128xf32>
    %mul3A_229 = vector.broadcast %broadcast_in_dim3A_228 : vector<1x128xf32> to vector<512x128xf32>
    %mul3A_230 = arith.mulf %exp3A_225, %mul3A_229 : vector<512x128xf32>
    %add3A_231 = arith.addf %add3A_217, %mul3A_230 : vector<512x128xf32>
    %sub3A_232 = arith.constant 1.10526311 : f32
    %sub3A_233 = vector.broadcast %sub3A_232 : f32 to vector<512x128xf32>
    %sub3A_234 = arith.subf %add3A_48, %sub3A_233 : vector<512x128xf32>
    %mul3A_235 = arith.constant -5.01388931 : f32
    %mul3A_236 = vector.broadcast %mul3A_235 : f32 to vector<512x128xf32>
    %mul3A_237 = arith.mulf %mul3A_236, %sub3A_234 : vector<512x128xf32>
    %mul3A_238 = arith.mulf %mul3A_237, %sub3A_234 : vector<512x128xf32>
    %exp3A_239 = math.exp %mul3A_238 : vector<512x128xf32>
    %slice3A_240 = vector.extract_strided_slice %get3A_51 {offsets = [13, 0], sizes = [1, 128], strides = [1, 1]} : vector<20x128xf32> to vector<1x128xf32>
    %squeeze3A_241 = vector.shape_cast %slice3A_240 : vector<1x128xf32> to vector<128xf32>
    %broadcast_in_dim3A_242 = vector.shape_cast %squeeze3A_241 : vector<128xf32> to vector<1x128xf32>
    %mul3A_243 = vector.broadcast %broadcast_in_dim3A_242 : vector<1x128xf32> to vector<512x128xf32>
    %mul3A_244 = arith.mulf %exp3A_239, %mul3A_243 : vector<512x128xf32>
    %add3A_245 = arith.addf %add3A_231, %mul3A_244 : vector<512x128xf32>
    %sub3A_246 = arith.constant 1.42105258 : f32
    %sub3A_247 = vector.broadcast %sub3A_246 : f32 to vector<512x128xf32>
    %sub3A_248 = arith.subf %add3A_48, %sub3A_247 : vector<512x128xf32>
    %mul3A_249 = arith.constant -5.01388931 : f32
    %mul3A_250 = vector.broadcast %mul3A_249 : f32 to vector<512x128xf32>
    %mul3A_251 = arith.mulf %mul3A_250, %sub3A_248 : vector<512x128xf32>
    %mul3A_252 = arith.mulf %mul3A_251, %sub3A_248 : vector<512x128xf32>
    %exp3A_253 = math.exp %mul3A_252 : vector<512x128xf32>
    %slice3A_254 = vector.extract_strided_slice %get3A_51 {offsets = [14, 0], sizes = [1, 128], strides = [1, 1]} : vector<20x128xf32> to vector<1x128xf32>
    %squeeze3A_255 = vector.shape_cast %slice3A_254 : vector<1x128xf32> to vector<128xf32>
    %broadcast_in_dim3A_256 = vector.shape_cast %squeeze3A_255 : vector<128xf32> to vector<1x128xf32>
    %mul3A_257 = vector.broadcast %broadcast_in_dim3A_256 : vector<1x128xf32> to vector<512x128xf32>
    %mul3A_258 = arith.mulf %exp3A_253, %mul3A_257 : vector<512x128xf32>
    %add3A_259 = arith.addf %add3A_245, %mul3A_258 : vector<512x128xf32>
    %sub3A_260 = arith.constant 1.73684216 : f32
    %sub3A_261 = vector.broadcast %sub3A_260 : f32 to vector<512x128xf32>
    %sub3A_262 = arith.subf %add3A_48, %sub3A_261 : vector<512x128xf32>
    %mul3A_263 = arith.constant -5.01388931 : f32
    %mul3A_264 = vector.broadcast %mul3A_263 : f32 to vector<512x128xf32>
    %mul3A_265 = arith.mulf %mul3A_264, %sub3A_262 : vector<512x128xf32>
    %mul3A_266 = arith.mulf %mul3A_265, %sub3A_262 : vector<512x128xf32>
    %exp3A_267 = math.exp %mul3A_266 : vector<512x128xf32>
    %slice3A_268 = vector.extract_strided_slice %get3A_51 {offsets = [15, 0], sizes = [1, 128], strides = [1, 1]} : vector<20x128xf32> to vector<1x128xf32>
    %squeeze3A_269 = vector.shape_cast %slice3A_268 : vector<1x128xf32> to vector<128xf32>
    %broadcast_in_dim3A_270 = vector.shape_cast %squeeze3A_269 : vector<128xf32> to vector<1x128xf32>
    %mul3A_271 = vector.broadcast %broadcast_in_dim3A_270 : vector<1x128xf32> to vector<512x128xf32>
    %mul3A_272 = arith.mulf %exp3A_267, %mul3A_271 : vector<512x128xf32>
    %add3A_273 = arith.addf %add3A_259, %mul3A_272 : vector<512x128xf32>
    %sub3A_274 = arith.constant 2.05263162 : f32
    %sub3A_275 = vector.broadcast %sub3A_274 : f32 to vector<512x128xf32>
    %sub3A_276 = arith.subf %add3A_48, %sub3A_275 : vector<512x128xf32>
    %mul3A_277 = arith.constant -5.01388931 : f32
    %mul3A_278 = vector.broadcast %mul3A_277 : f32 to vector<512x128xf32>
    %mul3A_279 = arith.mulf %mul3A_278, %sub3A_276 : vector<512x128xf32>
    %mul3A_280 = arith.mulf %mul3A_279, %sub3A_276 : vector<512x128xf32>
    %exp3A_281 = math.exp %mul3A_280 : vector<512x128xf32>
    %slice3A_282 = vector.extract_strided_slice %get3A_51 {offsets = [16, 0], sizes = [1, 128], strides = [1, 1]} : vector<20x128xf32> to vector<1x128xf32>
    %squeeze3A_283 = vector.shape_cast %slice3A_282 : vector<1x128xf32> to vector<128xf32>
    %broadcast_in_dim3A_284 = vector.shape_cast %squeeze3A_283 : vector<128xf32> to vector<1x128xf32>
    %mul3A_285 = vector.broadcast %broadcast_in_dim3A_284 : vector<1x128xf32> to vector<512x128xf32>
    %mul3A_286 = arith.mulf %exp3A_281, %mul3A_285 : vector<512x128xf32>
    %add3A_287 = arith.addf %add3A_273, %mul3A_286 : vector<512x128xf32>
    %sub3A_288 = arith.constant 2.36842108 : f32
    %sub3A_289 = vector.broadcast %sub3A_288 : f32 to vector<512x128xf32>
    %sub3A_290 = arith.subf %add3A_48, %sub3A_289 : vector<512x128xf32>
    %mul3A_291 = arith.constant -5.01388931 : f32
    %mul3A_292 = vector.broadcast %mul3A_291 : f32 to vector<512x128xf32>
    %mul3A_293 = arith.mulf %mul3A_292, %sub3A_290 : vector<512x128xf32>
    %mul3A_294 = arith.mulf %mul3A_293, %sub3A_290 : vector<512x128xf32>
    %exp3A_295 = math.exp %mul3A_294 : vector<512x128xf32>
    %slice3A_296 = vector.extract_strided_slice %get3A_51 {offsets = [17, 0], sizes = [1, 128], strides = [1, 1]} : vector<20x128xf32> to vector<1x128xf32>
    %squeeze3A_297 = vector.shape_cast %slice3A_296 : vector<1x128xf32> to vector<128xf32>
    %broadcast_in_dim3A_298 = vector.shape_cast %squeeze3A_297 : vector<128xf32> to vector<1x128xf32>
    %mul3A_299 = vector.broadcast %broadcast_in_dim3A_298 : vector<1x128xf32> to vector<512x128xf32>
    %mul3A_300 = arith.mulf %exp3A_295, %mul3A_299 : vector<512x128xf32>
    %add3A_301 = arith.addf %add3A_287, %mul3A_300 : vector<512x128xf32>
    %sub3A_302 = arith.constant 2.68421054 : f32
    %sub3A_303 = vector.broadcast %sub3A_302 : f32 to vector<512x128xf32>
    %sub3A_304 = arith.subf %add3A_48, %sub3A_303 : vector<512x128xf32>
    %mul3A_305 = arith.constant -5.01388931 : f32
    %mul3A_306 = vector.broadcast %mul3A_305 : f32 to vector<512x128xf32>
    %mul3A_307 = arith.mulf %mul3A_306, %sub3A_304 : vector<512x128xf32>
    %mul3A_308 = arith.mulf %mul3A_307, %sub3A_304 : vector<512x128xf32>
    %exp3A_309 = math.exp %mul3A_308 : vector<512x128xf32>
    %slice3A_310 = vector.extract_strided_slice %get3A_51 {offsets = [18, 0], sizes = [1, 128], strides = [1, 1]} : vector<20x128xf32> to vector<1x128xf32>
    %squeeze3A_311 = vector.shape_cast %slice3A_310 : vector<1x128xf32> to vector<128xf32>
    %broadcast_in_dim3A_312 = vector.shape_cast %squeeze3A_311 : vector<128xf32> to vector<1x128xf32>
    %mul3A_313 = vector.broadcast %broadcast_in_dim3A_312 : vector<1x128xf32> to vector<512x128xf32>
    %mul3A_314 = arith.mulf %exp3A_309, %mul3A_313 : vector<512x128xf32>
    %add3A_315 = arith.addf %add3A_301, %mul3A_314 : vector<512x128xf32>
    %sub3A_316 = arith.constant 3.000000e+00 : f32
    %sub3A_317 = vector.broadcast %sub3A_316 : f32 to vector<512x128xf32>
    %sub3A_318 = arith.subf %add3A_48, %sub3A_317 : vector<512x128xf32>
    %mul3A_319 = arith.constant -5.01388931 : f32
    %mul3A_320 = vector.broadcast %mul3A_319 : f32 to vector<512x128xf32>
    %mul3A_321 = arith.mulf %mul3A_320, %sub3A_318 : vector<512x128xf32>
    %mul3A_322 = arith.mulf %mul3A_321, %sub3A_318 : vector<512x128xf32>
    %exp3A_323 = math.exp %mul3A_322 : vector<512x128xf32>
    %slice3A_324 = vector.extract_strided_slice %get3A_51 {offsets = [19, 0], sizes = [1, 128], strides = [1, 1]} : vector<20x128xf32> to vector<1x128xf32>
    %squeeze3A_325 = vector.shape_cast %slice3A_324 : vector<1x128xf32> to vector<128xf32>
    %broadcast_in_dim3A_326 = vector.shape_cast %squeeze3A_325 : vector<128xf32> to vector<1x128xf32>
    %mul3A_327 = vector.broadcast %broadcast_in_dim3A_326 : vector<1x128xf32> to vector<512x128xf32>
    %mul3A_328 = arith.mulf %exp3A_323, %mul3A_327 : vector<512x128xf32>
    %add3A_329 = arith.addf %add3A_315, %mul3A_328 : vector<512x128xf32>
    %swap3A = arith.constant 0 : index
    %swap3A_330 = arith.constant 0 : index
    %swap3A_331 = vector.load %arg9[%swap3A, %swap3A_330] : memref<512x128xf32, #tpu.memory_space<vmem>>, vector<512x128xf32>
    tpu.vector_store %arg9[%swap3A, %swap3A_330], %add3A_329 {strides = array<i32>} : memref<512x128xf32, #tpu.memory_space<vmem>>, vector<512x128xf32>,
    return
  }
  func.func @transform_0(%arg0: i32) -> (i32, i32) {
    %c0_i32 = arith.constant 0 : i32
    %c0_i32_0 = arith.constant 0 : i32
    return %arg0, %c0_i32 : i32, i32
  }
  func.func @transform_1(%arg0: i32) -> (i32, i32, i32) {
    %c0_i32 = arith.constant 0 : i32
    %c0_i32_0 = arith.constant 0 : i32
    %c0_i32_1 = arith.constant 0 : i32
    return %c0_i32, %arg0, %c0_i32_0 : i32, i32, i32
  }
  func.func @transform_2(%arg0: i32) -> (i32, i32, i32) {
    %c0_i32 = arith.constant 0 : i32
    %c0_i32_0 = arith.constant 0 : i32
    %c0_i32_1 = arith.constant 0 : i32
    return %c0_i32, %arg0, %c0_i32_0 : i32, i32, i32
  }
  func.func @transform_3(%arg0: i32) -> (i32, i32) {
    %c0_i32 = arith.constant 0 : i32
    %c0_i32_0 = arith.constant 0 : i32
    %c0_i32_1 = arith.constant 0 : i32
    return %c0_i32, %c0_i32_0 : i32, i32
  }
  func.func @transform_4(%arg0: i32) -> (i32, i32) {
    %c0_i32 = arith.constant 0 : i32
    %c0_i32_0 = arith.constant 0 : i32
    %c0_i32_1 = arith.constant 0 : i32
    return %c0_i32, %c0_i32_0 : i32, i32
  }
  func.func @transform_5(%arg0: i32) -> (i32, i32) {
    %c0_i32 = arith.constant 0 : i32
    %c0_i32_0 = arith.constant 0 : i32
    %c0_i32_1 = arith.constant 0 : i32
    return %c0_i32, %c0_i32_0 : i32, i32
  }
  func.func @transform_6(%arg0: i32) -> (i32, i32) {
    %c0_i32 = arith.constant 0 : i32
    %c0_i32_0 = arith.constant 0 : i32
    %c0_i32_1 = arith.constant 0 : i32
    return %c0_i32, %c0_i32_0 : i32, i32
  }
  func.func @transform_7(%arg0: i32) -> (i32, i32) {
    %c0_i32 = arith.constant 0 : i32
    %c0_i32_0 = arith.constant 0 : i32
    %c0_i32_1 = arith.constant 0 : i32
    return %c0_i32, %c0_i32_0 : i32, i32
  }
  func.func @transform_8(%arg0: i32) -> (i32, i32) {
    %c0_i32 = arith.constant 0 : i32
    %c0_i32_0 = arith.constant 0 : i32
    return %arg0, %c0_i32 : i32, i32
  }
}

</mosaic_0001>

<sc_bundles>
// kernel: kernel.10.cloned.1.call-start
scs
__scs_entry_jumppad:
0x0: {  	(pc) =	sbr.rel $0x88, $3  }
0x1: {  	(tag) =	ssettag $0x0;
	lr =	simm.s32 $0x1  }
0x2: {  	[smem:$0x3F94] =	sst lr;
	_ =	strace $0xD0000000  }
0x3: {  	_ = 	snop  }
0x4: {  	_ = 	snop  }
0x5: {  	_ = 	snop  }
0x6: {  	_ = 	snop  }
0x7: {  	_ = 	snop  }
__scs_overlays_trampoline_lowered:
0x8: {  	[smem:$0x3FA3] =	sst s0  }
0x9: {  	[smem:$0x3FA4] =	sst s1  }
0xa: {  	[smem:$0x3FA5] =	sst s2  }
0xb: {  	[smem:$0x3FA6] =	sst s3  }
0xc: {  	[smem:$0x3FA7] =	sst s4  }
0xd: {  	[smem:$0x3FA8] =	sst s5  }
0xe: {  	[smem:$0x3FA9] =	sst s6  }
0xf: {  	[smem:$0x3FAA] =	sst s7  }
0x10: {  	[smem:$0x3FAB] =	sst s8  }
0x11: {  	[smem:$0x3FAC] =	sst s9;
	s0 =	simm.s32 @!p0 $0x0  }
0x12: {  	s1 =	sld [smem:$0x3F92];
	s0 =	simm.s32 @p0 $0x1  }
0x13: {  	[smem:$0x3FAD] =	sst s0;
	s0 =	simm.s32 @!p1 $0x0  }
0x14: {  	s2 =	sld [smem:$0x3F91];
	s0 =	simm.s32 @p1 $0x1  }
0x15: {  	[smem:$0x3FAE] =	sst s0;
	s0 =	simm.s32 @!p2 $0x0  }
0x16: {  	s3 =	sld [smem:$0x3FDB];
	s0 =	simm.s32 @p2 $0x1  }
0x17: {  	s4 =	simm.s32 $0x1BF5;
	[smem:$0x3FB0] =	sst s0  }
0x18: {  	s0 =	sld [smem:$0x3F93];
	_ =	swait.ge [sflag:s4], $0x0  }
0x19: {  	s7 =	sld [smem:$0x3F94]  }
0x1a: {  	s8 =	sadd.s32 $0xFFFFE003, lr  }
0x1b: {  	s9 =	sadd.s32 $0xFFFFFEF7, lr;
	s5 =	simm.s32 $0xFFFFFFFF;
	p2 =	slt.u32 s8, $0xFFFFF086  }
0x1c: {  	p1 =	slt.u32 s9, $0xF7A;
	s5 =	simm.s32 @!p2 $0x0  }
0x1d: {  	s5 =	simm.s32 @p1 $0x1;
	p0 =	seq.s32 s7, s2  }
0x1e: {  	s7 =	smul.u32 @!p0 $0xF7A, s2;
	p2 =	seq.s32 @!p0 s5, $0x0  }
0x1f: {  	s9 =	smul.u32 $0xF7A, s1;
	s8 =	simm.s32 @!p0 $0x1BF5;
	p2 =	por !p2, p0  }
0x20: {  	[sflag:s8] =	ssyncset.s32 @!p0 $0xFFFFF086;
	s6 =	sadd.s32 @!p0 s3, s7;
	s7 =	simm.s32 @!p0 $0x108  }
0x21: {  	s3 =	sadd.s32 s3, s9;
	s6 =	sadd.s32 @!p0 $0x88, s6;
	s7 =	simm.s32 @p2 $0x1082  }
0x22: {  	[simem:s7], [sflag:s8] =	dma.local @!p0 [hbm:s6], $0xF7A  }
0x23: {  	s9 =	sor.u32 $0xD0000000, s2;
	s6 =	simm.s32 $0x108;
	_ =	swait.ge @!p0 [sflag:s8], $0x0  }
0x24: {  	s3 =	sadd.s32 $0x88, s3;
	s6 =	simm.s32 @!p1 $0x1082;
	[sflag:s4] =	ssyncset.s32 $0xFFFFF086  }
0x25: {  	[simem:s6], [sflag:s4] =	dma.local [hbm:s3], $0xF7A  }
0x26: {  	[smem:$0x3F94] =	sst s1;
	(tag) =	ssettag s2;
	_ =	strace s9  }
0x27: {  	s1 =	sld [smem:$0x3FA4]  }
0x28: {  	s2 =	sld [smem:$0x3FA5]  }
0x29: {  	s4 =	sld [smem:$0x3FA7]  }
0x2a: {  	p0 =	seq.s32 s5, $0x0;
	s5 =	sld [smem:$0x3FA8]  }
0x2b: {  	s6 =	sld [smem:$0x3FA9]  }
0x2c: {  	s7 =	sld [smem:$0x3FAA]  }
0x2d: {  	s3 =	simm.s32 $0x108;
	s8 =	sld [smem:$0x3FAB]  }
0x2e: {  	s3 =	simm.s32 @!p0 $0x1082;
	s9 =	sld [smem:$0x3FAC]  }
0x2f: {  	lr =	sadd.s32 s0, s3;
	s0 =	sld [smem:$0x3FA3]  }
0x30: {  	s3 =	sld [smem:$0x3FA6]  }
0x31: {  	[smem:$0x3FAF] =	sst s10  }
0x32: {  	s10 =	sld [smem:$0x3FAD];
	_ =	sdelay $0x3  }
0x33: {  	p0 =	seq.s32 s10, $0x1;
	s10 =	sld [smem:$0x3FAF];
	_ =	sdelay $0x3  }
0x34: {  	[smem:$0x3FAF] =	sst s10  }
0x35: {  	s10 =	sld [smem:$0x3FAE];
	_ =	sdelay $0x3  }
0x36: {  	p1 =	seq.s32 s10, $0x1;
	s10 =	sld [smem:$0x3FAF];
	_ =	sdelay $0x3  }
0x37: {  	[smem:$0x3FAF] =	sst s10  }
0x38: {  	s10 =	sld [smem:$0x3FB0]  }
0x39: {  	_ = 	snop;
	(pc) =	sbr.ind lr, $3  }
0x3a: {  	_ = 	snop  }
0x3b: {  	_ = 	snop  }
0x3c: {  	p2 =	seq.s32 s10, $0x1;
	s10 =	sld [smem:$0x3FAF]  }
0x3d: {  	_ =	shalt  }
0x3e: {  	_ =	shalt  }
0x3f: {  	_ =	shalt  }
0x40: {  	_ =	shalt  }
0x41: {  	_ =	shalt  }
0x42: {  	_ =	shalt  }
0x43: {  	_ =	shalt  }
0x44: {  	_ =	shalt  }
0x45: {  	_ =	shalt  }
0x46: {  	_ =	shalt  }
0x47: {  	_ =	shalt  }
0x48: {  	_ =	shalt  }
0x49: {  	_ =	shalt  }
0x4a: {  	_ =	shalt  }
0x4b: {  	_ =	shalt  }
0x4c: {  	_ =	shalt  }
0x4d: {  	_ =	shalt  }
0x4e: {  	_ =	shalt  }
0x4f: {  	_ =	shalt  }
0x50: {  	_ =	shalt  }
0x51: {  	_ =	shalt  }
0x52: {  	_ =	shalt  }
0x53: {  	_ =	shalt  }
0x54: {  	_ =	shalt  }
0x55: {  	_ =	shalt  }
0x56: {  	_ =	shalt  }
0x57: {  	_ =	shalt  }
0x58: {  	_ =	shalt  }
0x59: {  	_ =	shalt  }
0x5a: {  	_ =	shalt  }
0x5b: {  	_ =	shalt  }
0x5c: {  	_ =	shalt  }
0x5d: {  	_ =	shalt  }
0x5e: {  	_ =	shalt  }
0x5f: {  	_ =	shalt  }
0x60: {  	_ =	shalt  }
0x61: {  	_ =	shalt  }
0x62: {  	_ =	shalt  }
0x63: {  	_ =	shalt  }
0x64: {  	_ =	shalt  }
0x65: {  	_ =	shalt  }
0x66: {  	_ =	shalt  }
0x67: {  	_ =	shalt  }
0x68: {  	_ =	shalt  }
0x69: {  	_ =	shalt  }
0x6a: {  	_ =	shalt  }
0x6b: {  	_ =	shalt  }
0x6c: {  	_ =	shalt  }
0x6d: {  	_ =	shalt  }
0x6e: {  	_ =	shalt  }
0x6f: {  	_ =	shalt  }
0x70: {  	_ =	shalt  }
0x71: {  	_ =	shalt  }
0x72: {  	_ =	shalt  }
0x73: {  	_ =	shalt  }
0x74: {  	_ =	shalt  }
0x75: {  	_ =	shalt  }
0x76: {  	_ =	shalt  }
0x77: {  	_ =	shalt  }
0x78: {  	_ =	shalt  }
0x79: {  	_ =	shalt  }
0x7a: {  	_ =	shalt  }
0x7b: {  	_ =	shalt  }
0x7c: {  	_ =	shalt  }
0x7d: {  	_ =	shalt  }
0x7e: {  	_ =	shalt  }
0x7f: {  	_ =	shalt  }
0x80: {  	_ =	shalt  }
0x81: {  	_ =	shalt  }
0x82: {  	_ =	shalt  }
0x83: {  	_ =	shalt  }
0x84: {  	_ =	shalt  }
0x85: {  	_ =	shalt  }
0x86: {  	_ =	shalt  }
0x87: {  	_ =	shalt  }
.Lfunc_end0:
.L_simem_size_0:
called_computation.1_lowered:
.L_overlay_start_0:
0x88: {  	s2 =	sld [smem:$0x3FD9]  }
0x89: {  	s3 =	sld [smem:$0x3FFE];
	_ =	sdelay $0x1  }
0x8a: {  	s1 =	srdreg.scid  }
0x8b: {  	s0 =	sand.u32 $0x1, s1  }
0x8c: {  	s17 =	sshll.u32 s0, $0xA;
	s2 =	sadd.s32 s3, s2  }
0x8d: {  	s2 =	sadd.s32 s2, s17  }
0x8e: {  	[smem:$0x3FBB] =	sst s2  }
0x8f: {  	_ = 	snop  }
0x90: {  	s2 =	sld [smem:$0x3FD0];
	(tm) =	ssettm $0x1  }
0x91: {  	s18 =	sld [smem:$0x3FFB];
	_ =	sdelay $0x3  }
0x92: {  	_ =	strace s18  }
0x93: {  	s3 =	sld [smem:$0x3FFC];
	_ =	sdelay $0x3  }
0x94: {  	_ =	strace s3  }
0x95: {  	s3 =	sld [smem:$0x3FFD];
	_ =	sdelay $0x3  }
0x96: {  	_ =	strace s3  }
0x97: {  	_ =	strace $0x8FFFFFFF  }
0x98: {  	s19 =	sld [smem:$0x3FDB];
	_ =	sdelay $0x1  }
0x99: {  	s4 =	simm.s32 $_scs_section_size  }
0x9a: {  	s5 =	simm.s32 $_size__tile_overlayer_lowered;
	s6 =	simm.s32 $_tile_overlayer_lowered  }
0x9b: {  	s22 =	simm.s32 $0x1BFF;
	s21 =	sshll.u32 s6, $0x1;
	s3 =	sadd.s32 s4, s19  }
0x9c: {  	s7 =	simm.s32 $0x0;
	s20 =	sshll.u32 s5, $0x1;
	s5 =	sadd.s32 s21, s3  }
0x9d: {  	[timem:s7], [sflag:s22] =	dma.local [hbm:s5], s20  }
0x9e: {  	_ =	swait.ge [sflag:s22], s20  }
0x9f: {  	s4 =	ssub.s32 $0x0, s20;
	[sflag:s22] =	ssyncset.done $0x0  }
0xa0: {  	[sflag:s22] =	ssyncadd.s32 s4;
	_ =	sdelay $0x1  }
0xa1: {  	s23 =	simm.s32 $0x1B8B  }
0xa2: {  	_ =	swait.ge [sflag:s23], $0x1  }
0xa3: {  	[sflag:s23] =	ssyncset.done $0x0  }
0xa4: {  	s25 =	simm.s32 $0x1B8E;
	s24 =	sld [smem:$0x3FFE];
	[sflag:s23] =	ssyncadd.s32 $0xFFFFFFFF  }
0xa5: {  	s26 =	simm.s32 $execute0_lowered;
	[smem:$0x3FD2] =	sst s25  }
0xa6: {  	s5 =	sshll.u32 s26, $0x1;
	_ =	strace $0x80000046;
	[dreg:$0x1] =	wrdreg $0xFFFFFFFF  }
0xa7: {  	s28 =	simm.s32 $_size_execute0_lowered;
	s3 =	sadd.s32 s3, s5;
	[dreg:$0x0] =	wrdreg $0x0  }
0xa8: {  	s5 =	sshll.u32 s28, $0x1;
	[dreg:$0x2] =	wrdreg s3  }
0xa9: {  	[dreg:$0x3] =	wrdreg s5  }
0xaa: {  	[dreg:$0x4] =	wrdreg $0xC0  }
0xab: {  	_ =	task [dreg:s7], $0x5FFFF  }
0xac: {  	[dreg:$0x1] =	wrdreg $0xFFFFFFFF  }
0xad: {  	[dreg:$0x0] =	wrdreg $0x60  }
0xae: {  	[dreg:$0x2] =	wrdreg s24  }
0xaf: {  	[dreg:$0x3] =	wrdreg s2  }
0xb0: {  	[dreg:$0x4] =	wrdreg $0x90000  }
0xb1: {  	[dreg:$0x5] =	wrdreg $0xA  }
0xb2: {  	_ =	task.clear_ibuf [dreg:s7], $0x6FFFF;
	_ =	strace $0x90000046  }
0xb3: {  	s29 =	simm.s32 $0xA;
	_ =	strace $0x80000048  }
0xb4: {  	_ =	swait.ge [sflag:s29], $0x1  }
0xb5: {  	[sflag:s29] =	ssyncadd.s32 $0xFFFFFFFF  }
0xb6: {  	_ =	strace $0x90000048  }
0xb7: {  	_ =	sfence  }
0xb8: {  	s30 =	sld [smem:$0x0];
	_ =	sdelay $0x2  }
0xb9: {  	s31 =	sshll.u32 s1, $0xD;
	s1 =	sshrl.u32 s1, $0x2  }
0xba: {  	s3 =	sand.u32 $0x4000, s31;
	s1 =	sadd.s32 s1, s30  }
0xbb: {  	s0 =	sor.u32 s3, s0;
	s1 =	sshll.u32 s1, $0x11  }
0xbc: {  	s0 =	sor.u32 s1, s0  }
0xbd: {  	s0 =	sadd.s32 $0x8F2B, s0  }
0xbe: {  	[sflag:s0] =	ssyncadd.remote.s32 $0x1  }
0xbf: {  	_ =	sfence.sel $0xFFFF  }
0xc0: {  	[dreg:$0x0] =	wrdreg $0xFFFFFFFF;
	(pc) =	sbr.abs _section_cstart, $3  }
0xc1: {  	[dreg:$0x1] =	wrdreg $0xFFFFFFFF  }
0xc2: {  	_ =	task.clear_ibuf [dreg:s7], $0x2FFFF;
	_ =	strace $0x9FFFFFFF  }
0xc3: {  	(tm) =	ssettm $0x7FFFFFFF  }
tec
execute0_lowered:
.L_overlay_start_1:
0x0: {  	(tag) =	ssettag $0x1  }
0x1: {  	s7 =	rddreg [dreg:$0x0]  }
0x2: {  	s8 =	rddreg [dreg:$0x1]  }
0x3: {  	s0 =	srdreg.scid;
	s2 =	rddreg [dreg:$0x2]  }
0x4: {  	s3 =	simm.s32 $0x0;
	s14 =	simm.s32 $0x80;
	s15 =	simm.s32 $0x5000  }
0x5: {  	s16 =	simm.s32 $0x1;
	s6 =	sand.u32 $0x1, s0;
	s0 =	stileid.u32  }
0x6: {  	s17 =	simm.s32 $0x0;
	[smem:$0x7FF] =	sst s3;
	s5 =	smul.u32 $0x140000, s6  }
0x7: {  	s4 =	sadd.s32 $0xCC00, s7;
	s1 =	sshll.u32 s6, $0x4;
	s10 =	smul.u32 $0x14000, s0  }
0x8: {  	s12 =	smul.u32 $0x50000, s0;
	s6 =	ssub.s32 $0x2, s6;
	s1 =	sor.u32 s0, s1  }
0x9: {  	s31 =	sshll.u32 s0, $0x6;
	s30 =	sshrl.u32 s6, $0x1;
	s9 =	smul.u32 $0x500, s1  }
0xa: {  	s1 =	rddreg [dreg:$0x3];
	_ =	strace $0x80000047;
	s10 =	sadd.s32 s10, s5  }
0xb: {  	s5 =	sadd.s32 $0x34C00, s7;
	s12 =	sshrl.u32 s12, $0x2;
	s13 =	ssub.s32 s6, s30  }
0xc: {  	s6 =	sor.u32 $0x1C02, s31;
	s10 =	sshrl.u32 s10, $0x3;
	s12 =	sadd.s32 s12, s2  }
0xd: {  	s11 =	sadd.s32 s9, s7;
	s10 =	sadd.s32 s10, s7;
	s7 =	sadd.s32 s8, s9  }
0xe: {  	s8 =	sadd.s32 $0x2C00, s11;
	s9 =	sadd.s32 $0x37400, s10;
	s10 =	smax.u32 s13, $0x1  }
0xf: {  	s11 =	sshrl.u32 s12, $0x3;
	s12 =	simm.s32 $0x2;
	s13 =	simm.s32 $0x2800  }
.LBB2_1:
0x10: {  	[spmem:s11], [sflag:s6] =	dma.local [hbm:s5], $0x2800  }
0x11: {  	_ =	swait.ge [sflag:s12], $0x2800  }
0x12: {  	[sflag:s12] =	ssyncset.done $0x0  }
0x13: {  	[sflag:s12] =	ssyncadd.s32 $0xFFFFD800  }
0x14: {  	[tilespmem:s3], [sflag:$0x2] =	stream.linear.gather [hbm4b:s7+s3], $0x2780, $0x38;
	[tilespmem:$0x1D000] =	vst v63  }
0x15: {  	_ =	swait.ge [sflag:s12], $0x2780  }
0x16: {  	[sflag:s12] =	ssyncset.done $0x0  }
0x17: {  	[sflag:s12] =	ssyncadd.s32 $0xFFFFD880  }
0x18: {  	[tilespmem:s13], [sflag:$0x2] =	stream.linear.gather [hbm4b:s8+s3], $0x2780, $0x38;
	[tilespmem:$0x1D000] =	vst v63  }
0x19: {  	_ =	swait.ge [sflag:s12], $0x2780  }
0x1a: {  	[sflag:s12] =	ssyncset.done $0x0  }
0x1b: {  	[sflag:s12] =	ssyncadd.s32 $0xFFFFD880  }
0x1c: {  	s18 =	simm.s32 $0x0;
	[bflag:$0x0] =	sbarrier.arrive $0xFFFF  }
0x1d: {  	[tilespmem:s15], [sflag:$0x1] =	stream.indirect.gather [hbm4b:s4+s14], $0x80, s18, s14, $0xb8;
	[tilespmem:$0x1D000] =	vst v63  }
0x1e: {  	_ =	swait.ge [sflag:s16], $0x4000  }
0x1f: {  	[sflag:s16] =	ssyncset.done $0x0  }
0x20: {  	s31 =	simm.s32 $0x2800;
	[sflag:s16] =	ssyncadd.s32 $0xFFFFC000  }
0x21: {  	[spmem:s2] =	stream.indirect.scatter.add.f32 [tilespmem:s15], [sflag:$0x2], $0x80, s31, s14, $0xb8;
	[tilespmem:$0x1D000] =	vst v63  }
0x22: {  	_ =	swait.ge [sflag:s12], $0x4000  }
0x23: {  	s19 =	simm.s32 $0x400;
	s18 =	simm.s32 $0x200;
	[sflag:s12] =	ssyncset.done $0x0  }
.LBB2_2:
0x24: {  	s20 =	sshra.s32 s18, $0x2  }
0x25: {  	[sflag:s12] =	ssyncadd.s32 $0xFFFFC000;
	s18 =	smov.u32 s19;
	s21 =	sadd.s32 $0x200, s19  }
0x26: {  	[tilespmem:s15], [sflag:$0x1] =	stream.indirect.gather [hbm4b:s4+s14], $0x80, s20, s14, $0xb8;
	[tilespmem:$0x1D000] =	vst v63  }
0x27: {  	p0 =	sne.s32 s19, $0x9C00;
	_ =	swait.ge [sflag:s16], $0x4000  }
.Ltmp0:
0x28: {  	[sflag:s16] =	ssyncset.done $0x0;
	(pc) =	sbr.rel @p0 .LBB2_2-.Ltmp0, $4  }
0x29: {  	s19 =	sadd.s32 $0x2800, s20;
	[sflag:s16] =	ssyncadd.s32 $0xFFFFC000  }
0x2a: {  	[spmem:s2] =	stream.indirect.scatter.add.f32 [tilespmem:s15], [sflag:$0x2], $0x80, s19, s14, $0xb8;
	[tilespmem:$0x1D000] =	vst v63  }
0x2b: {  	_ =	swait.ge [sflag:s12], $0x4000  }
0x2c: {  	s19 =	smov.u32 s21;
	[sflag:s12] =	ssyncset.done $0x0  }
0x2d: {  	s18 =	sshra.s32 s18, $0x2;
	[sflag:s12] =	ssyncadd.s32 $0xFFFFC000  }
0x2e: {  	[tilespmem:s15], [sflag:$0x1] =	stream.indirect.gather [hbm4b:s4+s14], $0x80, s18, s14, $0xb8;
	[tilespmem:$0x1D000] =	vst v63  }
0x2f: {  	_ =	swait.ge [sflag:s16], $0x4000  }
0x30: {  	[sflag:s16] =	ssyncset.done $0x0  }
0x31: {  	s18 =	sadd.s32 $0x2800, s18;
	[sflag:s16] =	ssyncadd.s32 $0xFFFFC000  }
0x32: {  	[spmem:s2] =	stream.indirect.scatter.add.f32 [tilespmem:s15], [sflag:$0x2], $0x80, s18, s14, $0xb8;
	[tilespmem:$0x1D000] =	vst v63  }
0x33: {  	_ =	swait.ge [sflag:s12], $0x4000  }
0x34: {  	s17 =	sadd.s32 $0x1, s17;
	[sflag:s12] =	ssyncset.done $0x0  }
0x35: {  	p0 =	sne.s32 s17, s10;
	[sflag:s12] =	ssyncadd.s32 $0xFFFFC000  }
.Ltmp1:
0x36: {  	[bflag:$0x0] =	sbarrier.arrive $0xFFFF;
	(pc) =	sbr.rel @p0 .LBB2_1-.Ltmp1, $4  }
0x37: {  	[hbm:s9], [sflag:s6] =	dma.local [spmem:s11], $0x2800  }
0x38: {  	_ =	swait.ge [sflag:s12], $0x2800  }
0x39: {  	[sflag:s12] =	ssyncset.done $0x0  }
0x3a: {  	[sflag:s12] =	ssyncadd.s32 $0xFFFFD800  }
0x3b: {  	_ =	sfence.sel $0x180000  }
0x3c: {  	[bflag:$0x0] =	sbarrier.arrive $0xFFFF  }
0x3d: {  	p0 =	sne.s32 s0, $0x0;
	_ =	strace $0x90000047  }
0x3e: {  	s0 =	sadd.s32 @!p0 $0x100000, s1;
	[bflag:$0x2] =	sbarrier.arrive $0xFFFF  }
0x3f: {  	[sflag:s0] =	ssyncadd.tile.s32 @!p0 $0x1;
	_ =	shalt  }
.Lfunc_end2:
_tile_overlayer_lowered:
.L_overlay_start_2:
0x40: {  	(tag) =	ssettag $0x2  }
0x41: {  	s0 =	rddreg [dreg:$0x0];
	s2 =	stileid.u32  }
0x42: {  	s1 =	rddreg [dreg:$0x1];
	p0 =	sne.s32 s2, $0x0  }
0x43: {  	s3 =	rddreg [dreg:$0x2];
	[bflag:$0x3] =	sbarrier.arrive $0xFFFF;
	s2 =	simm.s32 @!p0 $0x1C02  }
0x44: {  	[timem:s3], [sflag:s2] =	dma.local @!p0 [hbm:s0], s1  }
0x45: {  	s0 =	simm.s32 @!p0 $0x2  }
0x46: {  	_ =	swait.ge @!p0 [sflag:s0], s1  }
0x47: {  	s1 =	ssub.s32 @!p0 $0x0, s1;
	[sflag:s0] =	ssyncset.done @!p0 $0x0  }
0x48: {  	[sflag:s0] =	ssyncadd.s32 @!p0 s1  }
0x49: {  	[bflag:$0x3] =	sbarrier.arrive $0xFFFF  }
0x4a: {  	_ =	shalt  }

// kernel: kernel.13.cloned.1.call-start
scs
__scs_entry_jumppad:
0x0: {  	(pc) =	sbr.rel $0x88, $3  }
0x1: {  	(tag) =	ssettag $0x0;
	lr =	simm.s32 $0x1  }
0x2: {  	[smem:$0x3F94] =	sst lr;
	_ =	strace $0xD0000000  }
0x3: {  	_ = 	snop  }
0x4: {  	_ = 	snop  }
0x5: {  	_ = 	snop  }
0x6: {  	_ = 	snop  }
0x7: {  	_ = 	snop  }
__scs_overlays_trampoline_lowered:
0x8: {  	[smem:$0x3FA3] =	sst s0  }
0x9: {  	[smem:$0x3FA4] =	sst s1  }
0xa: {  	[smem:$0x3FA5] =	sst s2  }
0xb: {  	[smem:$0x3FA6] =	sst s3  }
0xc: {  	[smem:$0x3FA7] =	sst s4  }
0xd: {  	[smem:$0x3FA8] =	sst s5  }
0xe: {  	[smem:$0x3FA9] =	sst s6  }
0xf: {  	[smem:$0x3FAA] =	sst s7  }
0x10: {  	[smem:$0x3FAB] =	sst s8  }
0x11: {  	[smem:$0x3FAC] =	sst s9;
	s0 =	simm.s32 @!p0 $0x0  }
0x12: {  	s1 =	sld [smem:$0x3F92];
	s0 =	simm.s32 @p0 $0x1  }
0x13: {  	[smem:$0x3FAD] =	sst s0;
	s0 =	simm.s32 @!p1 $0x0  }
0x14: {  	s2 =	sld [smem:$0x3F91];
	s0 =	simm.s32 @p1 $0x1  }
0x15: {  	[smem:$0x3FAE] =	sst s0;
	s0 =	simm.s32 @!p2 $0x0  }
0x16: {  	s3 =	sld [smem:$0x3FDB];
	s0 =	simm.s32 @p2 $0x1  }
0x17: {  	s4 =	simm.s32 $0x1BF5;
	[smem:$0x3FB0] =	sst s0  }
0x18: {  	s0 =	sld [smem:$0x3F93];
	_ =	swait.ge [sflag:s4], $0x0  }
0x19: {  	s7 =	sld [smem:$0x3F94]  }
0x1a: {  	s8 =	sadd.s32 $0xFFFFE003, lr  }
0x1b: {  	s9 =	sadd.s32 $0xFFFFFEF7, lr;
	s5 =	simm.s32 $0xFFFFFFFF;
	p2 =	slt.u32 s8, $0xFFFFF086  }
0x1c: {  	p1 =	slt.u32 s9, $0xF7A;
	s5 =	simm.s32 @!p2 $0x0  }
0x1d: {  	s5 =	simm.s32 @p1 $0x1;
	p0 =	seq.s32 s7, s2  }
0x1e: {  	s7 =	smul.u32 @!p0 $0xF7A, s2;
	p2 =	seq.s32 @!p0 s5, $0x0  }
0x1f: {  	s9 =	smul.u32 $0xF7A, s1;
	s8 =	simm.s32 @!p0 $0x1BF5;
	p2 =	por !p2, p0  }
0x20: {  	[sflag:s8] =	ssyncset.s32 @!p0 $0xFFFFF086;
	s6 =	sadd.s32 @!p0 s3, s7;
	s7 =	simm.s32 @!p0 $0x108  }
0x21: {  	s3 =	sadd.s32 s3, s9;
	s6 =	sadd.s32 @!p0 $0x88, s6;
	s7 =	simm.s32 @p2 $0x1082  }
0x22: {  	[simem:s7], [sflag:s8] =	dma.local @!p0 [hbm:s6], $0xF7A  }
0x23: {  	s9 =	sor.u32 $0xD0000000, s2;
	s6 =	simm.s32 $0x108;
	_ =	swait.ge @!p0 [sflag:s8], $0x0  }
0x24: {  	s3 =	sadd.s32 $0x88, s3;
	s6 =	simm.s32 @!p1 $0x1082;
	[sflag:s4] =	ssyncset.s32 $0xFFFFF086  }
0x25: {  	[simem:s6], [sflag:s4] =	dma.local [hbm:s3], $0xF7A  }
0x26: {  	[smem:$0x3F94] =	sst s1;
	(tag) =	ssettag s2;
	_ =	strace s9  }
0x27: {  	s1 =	sld [smem:$0x3FA4]  }
0x28: {  	s2 =	sld [smem:$0x3FA5]  }
0x29: {  	s4 =	sld [smem:$0x3FA7]  }
0x2a: {  	p0 =	seq.s32 s5, $0x0;
	s5 =	sld [smem:$0x3FA8]  }
0x2b: {  	s6 =	sld [smem:$0x3FA9]  }
0x2c: {  	s7 =	sld [smem:$0x3FAA]  }
0x2d: {  	s3 =	simm.s32 $0x108;
	s8 =	sld [smem:$0x3FAB]  }
0x2e: {  	s3 =	simm.s32 @!p0 $0x1082;
	s9 =	sld [smem:$0x3FAC]  }
0x2f: {  	lr =	sadd.s32 s0, s3;
	s0 =	sld [smem:$0x3FA3]  }
0x30: {  	s3 =	sld [smem:$0x3FA6]  }
0x31: {  	[smem:$0x3FAF] =	sst s10  }
0x32: {  	s10 =	sld [smem:$0x3FAD];
	_ =	sdelay $0x3  }
0x33: {  	p0 =	seq.s32 s10, $0x1;
	s10 =	sld [smem:$0x3FAF];
	_ =	sdelay $0x3  }
0x34: {  	[smem:$0x3FAF] =	sst s10  }
0x35: {  	s10 =	sld [smem:$0x3FAE];
	_ =	sdelay $0x3  }
0x36: {  	p1 =	seq.s32 s10, $0x1;
	s10 =	sld [smem:$0x3FAF];
	_ =	sdelay $0x3  }
0x37: {  	[smem:$0x3FAF] =	sst s10  }
0x38: {  	s10 =	sld [smem:$0x3FB0]  }
0x39: {  	_ = 	snop;
	(pc) =	sbr.ind lr, $3  }
0x3a: {  	_ = 	snop  }
0x3b: {  	_ = 	snop  }
0x3c: {  	p2 =	seq.s32 s10, $0x1;
	s10 =	sld [smem:$0x3FAF]  }
0x3d: {  	_ =	shalt  }
0x3e: {  	_ =	shalt  }
0x3f: {  	_ =	shalt  }
0x40: {  	_ =	shalt  }
0x41: {  	_ =	shalt  }
0x42: {  	_ =	shalt  }
0x43: {  	_ =	shalt  }
0x44: {  	_ =	shalt  }
0x45: {  	_ =	shalt  }
0x46: {  	_ =	shalt  }
0x47: {  	_ =	shalt  }
0x48: {  	_ =	shalt  }
0x49: {  	_ =	shalt  }
0x4a: {  	_ =	shalt  }
0x4b: {  	_ =	shalt  }
0x4c: {  	_ =	shalt  }
0x4d: {  	_ =	shalt  }
0x4e: {  	_ =	shalt  }
0x4f: {  	_ =	shalt  }
0x50: {  	_ =	shalt  }
0x51: {  	_ =	shalt  }
0x52: {  	_ =	shalt  }
0x53: {  	_ =	shalt  }
0x54: {  	_ =	shalt  }
0x55: {  	_ =	shalt  }
0x56: {  	_ =	shalt  }
0x57: {  	_ =	shalt  }
0x58: {  	_ =	shalt  }
0x59: {  	_ =	shalt  }
0x5a: {  	_ =	shalt  }
0x5b: {  	_ =	shalt  }
0x5c: {  	_ =	shalt  }
0x5d: {  	_ =	shalt  }
0x5e: {  	_ =	shalt  }
0x5f: {  	_ =	shalt  }
0x60: {  	_ =	shalt  }
0x61: {  	_ =	shalt  }
0x62: {  	_ =	shalt  }
0x63: {  	_ =	shalt  }
0x64: {  	_ =	shalt  }
0x65: {  	_ =	shalt  }
0x66: {  	_ =	shalt  }
0x67: {  	_ =	shalt  }
0x68: {  	_ =	shalt  }
0x69: {  	_ =	shalt  }
0x6a: {  	_ =	shalt  }
0x6b: {  	_ =	shalt  }
0x6c: {  	_ =	shalt  }
0x6d: {  	_ =	shalt  }
0x6e: {  	_ =	shalt  }
0x6f: {  	_ =	shalt  }
0x70: {  	_ =	shalt  }
0x71: {  	_ =	shalt  }
0x72: {  	_ =	shalt  }
0x73: {  	_ =	shalt  }
0x74: {  	_ =	shalt  }
0x75: {  	_ =	shalt  }
0x76: {  	_ =	shalt  }
0x77: {  	_ =	shalt  }
0x78: {  	_ =	shalt  }
0x79: {  	_ =	shalt  }
0x7a: {  	_ =	shalt  }
0x7b: {  	_ =	shalt  }
0x7c: {  	_ =	shalt  }
0x7d: {  	_ =	shalt  }
0x7e: {  	_ =	shalt  }
0x7f: {  	_ =	shalt  }
0x80: {  	_ =	shalt  }
0x81: {  	_ =	shalt  }
0x82: {  	_ =	shalt  }
0x83: {  	_ =	shalt  }
0x84: {  	_ =	shalt  }
0x85: {  	_ =	shalt  }
0x86: {  	_ =	shalt  }
0x87: {  	_ =	shalt  }
.Lfunc_end0:
.L_simem_size_0:
called_computation.2_lowered:
.L_overlay_start_0:
0x88: {  	s2 =	sld [smem:$0x3FD9]  }
0x89: {  	s3 =	sld [smem:$0x3FFE];
	_ =	sdelay $0x1  }
0x8a: {  	s1 =	srdreg.scid  }
0x8b: {  	s0 =	sand.u32 $0x1, s1  }
0x8c: {  	s17 =	sshll.u32 s0, $0xA;
	s2 =	sadd.s32 s3, s2  }
0x8d: {  	s2 =	sadd.s32 s2, s17  }
0x8e: {  	[smem:$0x3FBB] =	sst s2  }
0x8f: {  	_ = 	snop  }
0x90: {  	s2 =	sld [smem:$0x3FD0];
	(tm) =	ssettm $0x1  }
0x91: {  	s18 =	sld [smem:$0x3FFB];
	_ =	sdelay $0x3  }
0x92: {  	_ =	strace s18  }
0x93: {  	s3 =	sld [smem:$0x3FFC];
	_ =	sdelay $0x3  }
0x94: {  	_ =	strace s3  }
0x95: {  	s3 =	sld [smem:$0x3FFD];
	_ =	sdelay $0x3  }
0x96: {  	_ =	strace s3  }
0x97: {  	_ =	strace $0x8FFFFFFF  }
0x98: {  	s19 =	sld [smem:$0x3FDB];
	_ =	sdelay $0x1  }
0x99: {  	s4 =	simm.s32 $_scs_section_size  }
0x9a: {  	s5 =	simm.s32 $_size__tile_overlayer_lowered;
	s6 =	simm.s32 $_tile_overlayer_lowered  }
0x9b: {  	s22 =	simm.s32 $0x1BFF;
	s21 =	sshll.u32 s6, $0x1;
	s3 =	sadd.s32 s4, s19  }
0x9c: {  	s7 =	simm.s32 $0x0;
	s20 =	sshll.u32 s5, $0x1;
	s5 =	sadd.s32 s21, s3  }
0x9d: {  	[timem:s7], [sflag:s22] =	dma.local [hbm:s5], s20  }
0x9e: {  	_ =	swait.ge [sflag:s22], s20  }
0x9f: {  	s4 =	ssub.s32 $0x0, s20;
	[sflag:s22] =	ssyncset.done $0x0  }
0xa0: {  	[sflag:s22] =	ssyncadd.s32 s4;
	_ =	sdelay $0x1  }
0xa1: {  	s23 =	simm.s32 $0x1B8B  }
0xa2: {  	_ =	swait.ge [sflag:s23], $0x1  }
0xa3: {  	[sflag:s23] =	ssyncset.done $0x0  }
0xa4: {  	s25 =	simm.s32 $0x1B8E;
	s24 =	sld [smem:$0x3FFE];
	[sflag:s23] =	ssyncadd.s32 $0xFFFFFFFF  }
0xa5: {  	s26 =	simm.s32 $execute0_lowered;
	[smem:$0x3FD2] =	sst s25  }
0xa6: {  	s5 =	sshll.u32 s26, $0x1;
	_ =	strace $0x8000004C;
	[dreg:$0x1] =	wrdreg $0xFFFFFFFF  }
0xa7: {  	s28 =	simm.s32 $_size_execute0_lowered;
	s3 =	sadd.s32 s3, s5;
	[dreg:$0x0] =	wrdreg $0x0  }
0xa8: {  	s5 =	sshll.u32 s28, $0x1;
	[dreg:$0x2] =	wrdreg s3  }
0xa9: {  	[dreg:$0x3] =	wrdreg s5  }
0xaa: {  	[dreg:$0x4] =	wrdreg $0xC0  }
0xab: {  	_ =	task [dreg:s7], $0x5FFFF  }
0xac: {  	[dreg:$0x1] =	wrdreg $0xFFFFFFFF  }
0xad: {  	[dreg:$0x0] =	wrdreg $0x60  }
0xae: {  	[dreg:$0x2] =	wrdreg s24  }
0xaf: {  	[dreg:$0x3] =	wrdreg s2  }
0xb0: {  	[dreg:$0x4] =	wrdreg $0x90000  }
0xb1: {  	[dreg:$0x5] =	wrdreg $0x9  }
0xb2: {  	_ =	task.clear_ibuf [dreg:s7], $0x6FFFF;
	_ =	strace $0x9000004C  }
0xb3: {  	s29 =	simm.s32 $0x9;
	_ =	strace $0x8000004E  }
0xb4: {  	_ =	swait.ge [sflag:s29], $0x1  }
0xb5: {  	[sflag:s29] =	ssyncadd.s32 $0xFFFFFFFF  }
0xb6: {  	_ =	strace $0x9000004E  }
0xb7: {  	_ =	sfence  }
0xb8: {  	s30 =	sld [smem:$0x0];
	_ =	sdelay $0x2  }
0xb9: {  	s31 =	sshll.u32 s1, $0xD;
	s1 =	sshrl.u32 s1, $0x2  }
0xba: {  	s3 =	sand.u32 $0x4000, s31;
	s1 =	sadd.s32 s1, s30  }
0xbb: {  	s0 =	sor.u32 s3, s0;
	s1 =	sshll.u32 s1, $0x11  }
0xbc: {  	s0 =	sor.u32 s1, s0  }
0xbd: {  	s0 =	sadd.s32 $0x8F2B, s0  }
0xbe: {  	[sflag:s0] =	ssyncadd.remote.s32 $0x1  }
0xbf: {  	_ =	sfence.sel $0xFFFF  }
0xc0: {  	[dreg:$0x0] =	wrdreg $0xFFFFFFFF;
	(pc) =	sbr.abs _section_cstart, $3  }
0xc1: {  	[dreg:$0x1] =	wrdreg $0xFFFFFFFF  }
0xc2: {  	_ =	task.clear_ibuf [dreg:s7], $0x2FFFF;
	_ =	strace $0x9FFFFFFF  }
0xc3: {  	(tm) =	ssettm $0x7FFFFFFF  }
tec
execute0_lowered:
.L_overlay_start_1:
0x0: {  	(tag) =	ssettag $0x1  }
0x1: {  	s7 =	rddreg [dreg:$0x0]  }
0x2: {  	s8 =	rddreg [dreg:$0x1]  }
0x3: {  	s0 =	srdreg.scid;
	s2 =	rddreg [dreg:$0x2]  }
0x4: {  	s3 =	simm.s32 $0x0;
	s14 =	simm.s32 $0x80;
	s15 =	simm.s32 $0x5000  }
0x5: {  	s16 =	simm.s32 $0x1;
	s6 =	sand.u32 $0x1, s0;
	s0 =	stileid.u32  }
0x6: {  	s17 =	simm.s32 $0x0;
	[smem:$0x7FF] =	sst s3;
	s5 =	smul.u32 $0x140000, s6  }
0x7: {  	s4 =	sadd.s32 $0xCC00, s7;
	s1 =	sshll.u32 s6, $0x4;
	s10 =	smul.u32 $0x14000, s0  }
0x8: {  	s12 =	smul.u32 $0x50000, s0;
	s6 =	ssub.s32 $0x2, s6;
	s1 =	sor.u32 s0, s1  }
0x9: {  	s31 =	sshll.u32 s0, $0x6;
	s30 =	sshrl.u32 s6, $0x1;
	s9 =	smul.u32 $0x500, s1  }
0xa: {  	s1 =	rddreg [dreg:$0x3];
	_ =	strace $0x8000004D;
	s10 =	sadd.s32 s10, s5  }
0xb: {  	s5 =	sadd.s32 $0x34C00, s7;
	s12 =	sshrl.u32 s12, $0x2;
	s13 =	ssub.s32 s6, s30  }
0xc: {  	s6 =	sor.u32 $0x1C02, s31;
	s10 =	sshrl.u32 s10, $0x3;
	s12 =	sadd.s32 s12, s2  }
0xd: {  	s11 =	sadd.s32 s9, s7;
	s10 =	sadd.s32 s10, s7;
	s7 =	sadd.s32 s8, s9  }
0xe: {  	s8 =	sadd.s32 $0x2C00, s11;
	s9 =	sadd.s32 $0x37400, s10;
	s10 =	smax.u32 s13, $0x1  }
0xf: {  	s11 =	sshrl.u32 s12, $0x3;
	s12 =	simm.s32 $0x2;
	s13 =	simm.s32 $0x2800  }
.LBB2_1:
0x10: {  	[spmem:s11], [sflag:s6] =	dma.local [hbm:s5], $0x2800  }
0x11: {  	_ =	swait.ge [sflag:s12], $0x2800  }
0x12: {  	[sflag:s12] =	ssyncset.done $0x0  }
0x13: {  	[sflag:s12] =	ssyncadd.s32 $0xFFFFD800  }
0x14: {  	[tilespmem:s3], [sflag:$0x2] =	stream.linear.gather [hbm4b:s7+s3], $0x2780, $0x38;
	[tilespmem:$0x1D000] =	vst v63  }
0x15: {  	_ =	swait.ge [sflag:s12], $0x2780  }
0x16: {  	[sflag:s12] =	ssyncset.done $0x0  }
0x17: {  	[sflag:s12] =	ssyncadd.s32 $0xFFFFD880  }
0x18: {  	[tilespmem:s13], [sflag:$0x2] =	stream.linear.gather [hbm4b:s8+s3], $0x2780, $0x38;
	[tilespmem:$0x1D000] =	vst v63  }
0x19: {  	_ =	swait.ge [sflag:s12], $0x2780  }
0x1a: {  	[sflag:s12] =	ssyncset.done $0x0  }
0x1b: {  	[sflag:s12] =	ssyncadd.s32 $0xFFFFD880  }
0x1c: {  	s18 =	simm.s32 $0x0;
	[bflag:$0x0] =	sbarrier.arrive $0xFFFF  }
0x1d: {  	[tilespmem:s15], [sflag:$0x1] =	stream.indirect.gather [hbm4b:s4+s14], $0x80, s18, s14, $0xb8;
	[tilespmem:$0x1D000] =	vst v63  }
0x1e: {  	_ =	swait.ge [sflag:s16], $0x4000  }
0x1f: {  	[sflag:s16] =	ssyncset.done $0x0  }
0x20: {  	s31 =	simm.s32 $0x2800;
	[sflag:s16] =	ssyncadd.s32 $0xFFFFC000  }
0x21: {  	[spmem:s2] =	stream.indirect.scatter.add.f32 [tilespmem:s15], [sflag:$0x2], $0x80, s31, s14, $0xb8;
	[tilespmem:$0x1D000] =	vst v63  }
0x22: {  	_ =	swait.ge [sflag:s12], $0x4000  }
0x23: {  	s19 =	simm.s32 $0x400;
	s18 =	simm.s32 $0x200;
	[sflag:s12] =	ssyncset.done $0x0  }
.LBB2_2:
0x24: {  	s20 =	sshra.s32 s18, $0x2  }
0x25: {  	[sflag:s12] =	ssyncadd.s32 $0xFFFFC000;
	s18 =	smov.u32 s19;
	s21 =	sadd.s32 $0x200, s19  }
0x26: {  	[tilespmem:s15], [sflag:$0x1] =	stream.indirect.gather [hbm4b:s4+s14], $0x80, s20, s14, $0xb8;
	[tilespmem:$0x1D000] =	vst v63  }
0x27: {  	p0 =	sne.s32 s19, $0x9C00;
	_ =	swait.ge [sflag:s16], $0x4000  }
.Ltmp0:
0x28: {  	[sflag:s16] =	ssyncset.done $0x0;
	(pc) =	sbr.rel @p0 .LBB2_2-.Ltmp0, $4  }
0x29: {  	s19 =	sadd.s32 $0x2800, s20;
	[sflag:s16] =	ssyncadd.s32 $0xFFFFC000  }
0x2a: {  	[spmem:s2] =	stream.indirect.scatter.add.f32 [tilespmem:s15], [sflag:$0x2], $0x80, s19, s14, $0xb8;
	[tilespmem:$0x1D000] =	vst v63  }
0x2b: {  	_ =	swait.ge [sflag:s12], $0x4000  }
0x2c: {  	s19 =	smov.u32 s21;
	[sflag:s12] =	ssyncset.done $0x0  }
0x2d: {  	s18 =	sshra.s32 s18, $0x2;
	[sflag:s12] =	ssyncadd.s32 $0xFFFFC000  }
0x2e: {  	[tilespmem:s15], [sflag:$0x1] =	stream.indirect.gather [hbm4b:s4+s14], $0x80, s18, s14, $0xb8;
	[tilespmem:$0x1D000] =	vst v63  }
0x2f: {  	_ =	swait.ge [sflag:s16], $0x4000  }
0x30: {  	[sflag:s16] =	ssyncset.done $0x0  }
0x31: {  	s18 =	sadd.s32 $0x2800, s18;
	[sflag:s16] =	ssyncadd.s32 $0xFFFFC000  }
0x32: {  	[spmem:s2] =	stream.indirect.scatter.add.f32 [tilespmem:s15], [sflag:$0x2], $0x80, s18, s14, $0xb8;
	[tilespmem:$0x1D000] =	vst v63  }
0x33: {  	_ =	swait.ge [sflag:s12], $0x4000  }
0x34: {  	s17 =	sadd.s32 $0x1, s17;
	[sflag:s12] =	ssyncset.done $0x0  }
0x35: {  	p0 =	sne.s32 s17, s10;
	[sflag:s12] =	ssyncadd.s32 $0xFFFFC000  }
.Ltmp1:
0x36: {  	[bflag:$0x0] =	sbarrier.arrive $0xFFFF;
	(pc) =	sbr.rel @p0 .LBB2_1-.Ltmp1, $4  }
0x37: {  	[hbm:s9], [sflag:s6] =	dma.local [spmem:s11], $0x2800  }
0x38: {  	_ =	swait.ge [sflag:s12], $0x2800  }
0x39: {  	[sflag:s12] =	ssyncset.done $0x0  }
0x3a: {  	[sflag:s12] =	ssyncadd.s32 $0xFFFFD800  }
0x3b: {  	_ =	sfence.sel $0x180000  }
0x3c: {  	[bflag:$0x0] =	sbarrier.arrive $0xFFFF  }
0x3d: {  	p0 =	sne.s32 s0, $0x0;
	_ =	strace $0x9000004D  }
0x3e: {  	s0 =	sadd.s32 @!p0 $0x100000, s1;
	[bflag:$0x2] =	sbarrier.arrive $0xFFFF  }
0x3f: {  	[sflag:s0] =	ssyncadd.tile.s32 @!p0 $0x1;
	_ =	shalt  }
.Lfunc_end2:
_tile_overlayer_lowered:
.L_overlay_start_2:
0x40: {  	(tag) =	ssettag $0x2  }
0x41: {  	s0 =	rddreg [dreg:$0x0];
	s2 =	stileid.u32  }
0x42: {  	s1 =	rddreg [dreg:$0x1];
	p0 =	sne.s32 s2, $0x0  }
0x43: {  	s3 =	rddreg [dreg:$0x2];
	[bflag:$0x3] =	sbarrier.arrive $0xFFFF;
	s2 =	simm.s32 @!p0 $0x1C02  }
0x44: {  	[timem:s3], [sflag:s2] =	dma.local @!p0 [hbm:s0], s1  }
0x45: {  	s0 =	simm.s32 @!p0 $0x2  }
0x46: {  	_ =	swait.ge @!p0 [sflag:s0], s1  }
0x47: {  	s1 =	ssub.s32 @!p0 $0x0, s1;
	[sflag:s0] =	ssyncset.done @!p0 $0x0  }
0x48: {  	[sflag:s0] =	ssyncadd.s32 @!p0 s1  }
0x49: {  	[bflag:$0x3] =	sbarrier.arrive $0xFFFF  }
0x4a: {  	_ =	shalt  }

// kernel: kernel.7.cloned.1.call-start
scs
__scs_entry_jumppad:
0x0: {  	(pc) =	sbr.rel $0x88, $3  }
0x1: {  	(tag) =	ssettag $0x0;
	lr =	simm.s32 $0x1  }
0x2: {  	[smem:$0x3F94] =	sst lr;
	_ =	strace $0xD0000000  }
0x3: {  	_ = 	snop  }
0x4: {  	_ = 	snop  }
0x5: {  	_ = 	snop  }
0x6: {  	_ = 	snop  }
0x7: {  	_ = 	snop  }
__scs_overlays_trampoline_lowered:
0x8: {  	[smem:$0x3FA3] =	sst s0  }
0x9: {  	[smem:$0x3FA4] =	sst s1  }
0xa: {  	[smem:$0x3FA5] =	sst s2  }
0xb: {  	[smem:$0x3FA6] =	sst s3  }
0xc: {  	[smem:$0x3FA7] =	sst s4  }
0xd: {  	[smem:$0x3FA8] =	sst s5  }
0xe: {  	[smem:$0x3FA9] =	sst s6  }
0xf: {  	[smem:$0x3FAA] =	sst s7  }
0x10: {  	[smem:$0x3FAB] =	sst s8  }
0x11: {  	[smem:$0x3FAC] =	sst s9;
	s0 =	simm.s32 @!p0 $0x0  }
0x12: {  	s1 =	sld [smem:$0x3F92];
	s0 =	simm.s32 @p0 $0x1  }
0x13: {  	[smem:$0x3FAD] =	sst s0;
	s0 =	simm.s32 @!p1 $0x0  }
0x14: {  	s2 =	sld [smem:$0x3F91];
	s0 =	simm.s32 @p1 $0x1  }
0x15: {  	[smem:$0x3FAE] =	sst s0;
	s0 =	simm.s32 @!p2 $0x0  }
0x16: {  	s3 =	sld [smem:$0x3FDB];
	s0 =	simm.s32 @p2 $0x1  }
0x17: {  	s4 =	simm.s32 $0x1BF5;
	[smem:$0x3FB0] =	sst s0  }
0x18: {  	s0 =	sld [smem:$0x3F93];
	_ =	swait.ge [sflag:s4], $0x0  }
0x19: {  	s7 =	sld [smem:$0x3F94]  }
0x1a: {  	s8 =	sadd.s32 $0xFFFFE003, lr  }
0x1b: {  	s9 =	sadd.s32 $0xFFFFFEF7, lr;
	s5 =	simm.s32 $0xFFFFFFFF;
	p2 =	slt.u32 s8, $0xFFFFF086  }
0x1c: {  	p1 =	slt.u32 s9, $0xF7A;
	s5 =	simm.s32 @!p2 $0x0  }
0x1d: {  	s5 =	simm.s32 @p1 $0x1;
	p0 =	seq.s32 s7, s2  }
0x1e: {  	s7 =	smul.u32 @!p0 $0xF7A, s2;
	p2 =	seq.s32 @!p0 s5, $0x0  }
0x1f: {  	s9 =	smul.u32 $0xF7A, s1;
	s8 =	simm.s32 @!p0 $0x1BF5;
	p2 =	por !p2, p0  }
0x20: {  	[sflag:s8] =	ssyncset.s32 @!p0 $0xFFFFF086;
	s6 =	sadd.s32 @!p0 s3, s7;
	s7 =	simm.s32 @!p0 $0x108  }
0x21: {  	s3 =	sadd.s32 s3, s9;
	s6 =	sadd.s32 @!p0 $0x88, s6;
	s7 =	simm.s32 @p2 $0x1082  }
0x22: {  	[simem:s7], [sflag:s8] =	dma.local @!p0 [hbm:s6], $0xF7A  }
0x23: {  	s9 =	sor.u32 $0xD0000000, s2;
	s6 =	simm.s32 $0x108;
	_ =	swait.ge @!p0 [sflag:s8], $0x0  }
0x24: {  	s3 =	sadd.s32 $0x88, s3;
	s6 =	simm.s32 @!p1 $0x1082;
	[sflag:s4] =	ssyncset.s32 $0xFFFFF086  }
0x25: {  	[simem:s6], [sflag:s4] =	dma.local [hbm:s3], $0xF7A  }
0x26: {  	[smem:$0x3F94] =	sst s1;
	(tag) =	ssettag s2;
	_ =	strace s9  }
0x27: {  	s1 =	sld [smem:$0x3FA4]  }
0x28: {  	s2 =	sld [smem:$0x3FA5]  }
0x29: {  	s4 =	sld [smem:$0x3FA7]  }
0x2a: {  	p0 =	seq.s32 s5, $0x0;
	s5 =	sld [smem:$0x3FA8]  }
0x2b: {  	s6 =	sld [smem:$0x3FA9]  }
0x2c: {  	s7 =	sld [smem:$0x3FAA]  }
0x2d: {  	s3 =	simm.s32 $0x108;
	s8 =	sld [smem:$0x3FAB]  }
0x2e: {  	s3 =	simm.s32 @!p0 $0x1082;
	s9 =	sld [smem:$0x3FAC]  }
0x2f: {  	lr =	sadd.s32 s0, s3;
	s0 =	sld [smem:$0x3FA3]  }
0x30: {  	s3 =	sld [smem:$0x3FA6]  }
0x31: {  	[smem:$0x3FAF] =	sst s10  }
0x32: {  	s10 =	sld [smem:$0x3FAD];
	_ =	sdelay $0x3  }
0x33: {  	p0 =	seq.s32 s10, $0x1;
	s10 =	sld [smem:$0x3FAF];
	_ =	sdelay $0x3  }
0x34: {  	[smem:$0x3FAF] =	sst s10  }
0x35: {  	s10 =	sld [smem:$0x3FAE];
	_ =	sdelay $0x3  }
0x36: {  	p1 =	seq.s32 s10, $0x1;
	s10 =	sld [smem:$0x3FAF];
	_ =	sdelay $0x3  }
0x37: {  	[smem:$0x3FAF] =	sst s10  }
0x38: {  	s10 =	sld [smem:$0x3FB0]  }
0x39: {  	_ = 	snop;
	(pc) =	sbr.ind lr, $3  }
0x3a: {  	_ = 	snop  }
0x3b: {  	_ = 	snop  }
0x3c: {  	p2 =	seq.s32 s10, $0x1;
	s10 =	sld [smem:$0x3FAF]  }
0x3d: {  	_ =	shalt  }
0x3e: {  	_ =	shalt  }
0x3f: {  	_ =	shalt  }
0x40: {  	_ =	shalt  }
0x41: {  	_ =	shalt  }
0x42: {  	_ =	shalt  }
0x43: {  	_ =	shalt  }
0x44: {  	_ =	shalt  }
0x45: {  	_ =	shalt  }
0x46: {  	_ =	shalt  }
0x47: {  	_ =	shalt  }
0x48: {  	_ =	shalt  }
0x49: {  	_ =	shalt  }
0x4a: {  	_ =	shalt  }
0x4b: {  	_ =	shalt  }
0x4c: {  	_ =	shalt  }
0x4d: {  	_ =	shalt  }
0x4e: {  	_ =	shalt  }
0x4f: {  	_ =	shalt  }
0x50: {  	_ =	shalt  }
0x51: {  	_ =	shalt  }
0x52: {  	_ =	shalt  }
0x53: {  	_ =	shalt  }
0x54: {  	_ =	shalt  }
0x55: {  	_ =	shalt  }
0x56: {  	_ =	shalt  }
0x57: {  	_ =	shalt  }
0x58: {  	_ =	shalt  }
0x59: {  	_ =	shalt  }
0x5a: {  	_ =	shalt  }
0x5b: {  	_ =	shalt  }
0x5c: {  	_ =	shalt  }
0x5d: {  	_ =	shalt  }
0x5e: {  	_ =	shalt  }
0x5f: {  	_ =	shalt  }
0x60: {  	_ =	shalt  }
0x61: {  	_ =	shalt  }
0x62: {  	_ =	shalt  }
0x63: {  	_ =	shalt  }
0x64: {  	_ =	shalt  }
0x65: {  	_ =	shalt  }
0x66: {  	_ =	shalt  }
0x67: {  	_ =	shalt  }
0x68: {  	_ =	shalt  }
0x69: {  	_ =	shalt  }
0x6a: {  	_ =	shalt  }
0x6b: {  	_ =	shalt  }
0x6c: {  	_ =	shalt  }
0x6d: {  	_ =	shalt  }
0x6e: {  	_ =	shalt  }
0x6f: {  	_ =	shalt  }
0x70: {  	_ =	shalt  }
0x71: {  	_ =	shalt  }
0x72: {  	_ =	shalt  }
0x73: {  	_ =	shalt  }
0x74: {  	_ =	shalt  }
0x75: {  	_ =	shalt  }
0x76: {  	_ =	shalt  }
0x77: {  	_ =	shalt  }
0x78: {  	_ =	shalt  }
0x79: {  	_ =	shalt  }
0x7a: {  	_ =	shalt  }
0x7b: {  	_ =	shalt  }
0x7c: {  	_ =	shalt  }
0x7d: {  	_ =	shalt  }
0x7e: {  	_ =	shalt  }
0x7f: {  	_ =	shalt  }
0x80: {  	_ =	shalt  }
0x81: {  	_ =	shalt  }
0x82: {  	_ =	shalt  }
0x83: {  	_ =	shalt  }
0x84: {  	_ =	shalt  }
0x85: {  	_ =	shalt  }
0x86: {  	_ =	shalt  }
0x87: {  	_ =	shalt  }
.Lfunc_end0:
.L_simem_size_0:
called_computation_lowered:
.L_overlay_start_0:
0x88: {  	s2 =	sld [smem:$0x3FD9]  }
0x89: {  	s3 =	sld [smem:$0x3FFE];
	_ =	sdelay $0x1  }
0x8a: {  	s1 =	srdreg.scid  }
0x8b: {  	s0 =	sand.u32 $0x1, s1  }
0x8c: {  	s17 =	sshll.u32 s0, $0xA;
	s2 =	sadd.s32 s3, s2  }
0x8d: {  	s2 =	sadd.s32 s2, s17  }
0x8e: {  	[smem:$0x3FBB] =	sst s2  }
0x8f: {  	_ = 	snop  }
0x90: {  	(tm) =	ssettm $0x1  }
0x91: {  	s18 =	sld [smem:$0x3FFB];
	_ =	sdelay $0x3  }
0x92: {  	_ =	strace s18  }
0x93: {  	s2 =	sld [smem:$0x3FFC];
	_ =	sdelay $0x3  }
0x94: {  	_ =	strace s2  }
0x95: {  	s2 =	sld [smem:$0x3FFD];
	_ =	sdelay $0x3  }
0x96: {  	_ =	strace s2  }
0x97: {  	_ =	strace $0x8FFFFFFF  }
0x98: {  	s19 =	sld [smem:$0x3FDB];
	_ =	sdelay $0x1  }
0x99: {  	s20 =	simm.s32 $_scs_section_size  }
0x9a: {  	s4 =	simm.s32 $_size__tile_overlayer_lowered;
	s5 =	simm.s32 $_tile_overlayer_lowered  }
0x9b: {  	s6 =	simm.s32 $0x1BFF;
	s21 =	sshll.u32 s5, $0x1;
	s3 =	sadd.s32 s20, s19  }
0x9c: {  	s22 =	simm.s32 $0x0;
	s4 =	sshll.u32 s4, $0x1;
	s5 =	sadd.s32 s21, s3  }
0x9d: {  	[timem:s22], [sflag:s6] =	dma.local [hbm:s5], s4  }
0x9e: {  	_ =	swait.ge [sflag:s6], s4  }
0x9f: {  	s4 =	ssub.s32 $0x0, s4;
	[sflag:s6] =	ssyncset.done $0x0  }
0xa0: {  	[sflag:s6] =	ssyncadd.s32 s4;
	_ =	sdelay $0x1  }
0xa1: {  	s23 =	simm.s32 $0x1B8B  }
0xa2: {  	_ =	swait.ge [sflag:s23], $0x1  }
0xa3: {  	[sflag:s23] =	ssyncset.done $0x0  }
0xa4: {  	[sflag:s23] =	ssyncadd.s32 $0xFFFFFFFF  }
0xa5: {  	s4 =	sld [smem:$0x0]  }
0xa6: {  	s5 =	sand.u32 $0xFFFFFFFE, s1  }
0xa7: {  	p0 =	sne.s32 s1, s5  }
0xa8: {  	s5 =	sshll.u32 @p0 s5, $0xE  }
0xa9: {  	s5 =	sadd.s32 @p0 $0x11B8D, s5;
	s6 =	sshll.u32 @p0 s4, $0x11  }
0xaa: {  	s5 =	sor.u32 @p0 s6, s5  }
0xab: {  	[sflag:s5] =	ssyncadd.remote.s32 @p0 $0x1;
	_ =	sdelay $0x1  }
0xac: {  	s5 =	simm.s32 @p0 $0x1B8D  }
0xad: {  	_ =	swait.eq @p0 [sflag:s5], $0x1  }
0xae: {  	[sflag:s5] =	ssyncadd.s32 @p0 $0xFFFFFFFF  }
0xaf: {  	s6 =	sshll.u32 @!p0 s1, $0xE  }
0xb0: {  	s6 =	sor.u32 @!p0 $0x4000, s6;
	s5 =	simm.s32 @!p0 $0x1B8D  }
0xb1: {  	s4 =	sshll.u32 @!p0 s4, $0x11;
	s6 =	sadd.s32 @!p0 $0x11B8D, s6;
	_ =	swait.eq @!p0 [sflag:s5], $0x1  }
0xb2: {  	s4 =	sor.u32 @!p0 s4, s6;
	[sflag:s5] =	ssyncadd.s32 @!p0 $0xFFFFFFFF  }
0xb3: {  	s25 =	simm.s32 $0x1B8E;
	s24 =	sld [smem:$0x3FFE];
	[sflag:s4] =	ssyncadd.remote.s32 @!p0 $0x1  }
0xb4: {  	s26 =	simm.s32 $execute0_lowered;
	[smem:$0x3FD2] =	sst s25  }
0xb5: {  	s5 =	sshll.u32 s26, $0x1;
	_ =	strace $0x80000049;
	[dreg:$0x1] =	wrdreg $0xFFFFFFFF  }
0xb6: {  	s28 =	simm.s32 $_size_execute0_lowered;
	s3 =	sadd.s32 s3, s5;
	[dreg:$0x0] =	wrdreg $0x0  }
0xb7: {  	s5 =	sshll.u32 s28, $0x1;
	[dreg:$0x2] =	wrdreg s3  }
0xb8: {  	[dreg:$0x3] =	wrdreg s5  }
0xb9: {  	[dreg:$0x4] =	wrdreg $0xC0  }
0xba: {  	_ =	task [dreg:s22], $0x5FFFF  }
0xbb: {  	[dreg:$0x1] =	wrdreg $0xFFFFFFFF  }
0xbc: {  	[dreg:$0x0] =	wrdreg $0x60  }
0xbd: {  	[dreg:$0x2] =	wrdreg s24  }
0xbe: {  	[dreg:$0x3] =	wrdreg $0x90000  }
0xbf: {  	[dreg:$0x4] =	wrdreg $0x9  }
0xc0: {  	_ =	task.clear_ibuf [dreg:s22], $0x5FFFF;
	_ =	strace $0x90000049  }
0xc1: {  	s29 =	simm.s32 $0x9;
	_ =	strace $0x8000004B  }
0xc2: {  	_ =	swait.ge [sflag:s29], $0x1  }
0xc3: {  	[sflag:s29] =	ssyncadd.s32 $0xFFFFFFFF  }
0xc4: {  	_ =	strace $0x9000004B  }
0xc5: {  	_ =	sfence  }
0xc6: {  	s30 =	sld [smem:$0x0];
	_ =	sdelay $0x2  }
0xc7: {  	s31 =	sshll.u32 s1, $0xD;
	s1 =	sshrl.u32 s1, $0x2  }
0xc8: {  	s4 =	sand.u32 $0x4000, s31;
	s1 =	sadd.s32 s1, s30  }
0xc9: {  	s0 =	sor.u32 s4, s0;
	s1 =	sshll.u32 s1, $0x11  }
0xca: {  	s0 =	sor.u32 s1, s0  }
0xcb: {  	s0 =	sadd.s32 $0x8F2B, s0  }
0xcc: {  	[sflag:s0] =	ssyncadd.remote.s32 $0x1  }
0xcd: {  	_ =	sfence.sel $0xFFFF  }
0xce: {  	[dreg:$0x0] =	wrdreg $0xFFFFFFFF;
	(pc) =	sbr.abs _section_cstart, $3  }
0xcf: {  	[dreg:$0x1] =	wrdreg $0xFFFFFFFF  }
0xd0: {  	_ =	task.clear_ibuf [dreg:s22], $0x2FFFF;
	_ =	strace $0x9FFFFFFF  }
0xd1: {  	(tm) =	ssettm $0x7FFFFFFF  }
tec
execute0_lowered:
.L_overlay_start_1:
0x0: {  	(tag) =	ssettag $0x1  }
0x1: {  	s7 =	rddreg [dreg:$0x0]  }
0x2: {  	s0 =	srdreg.scid;
	s2 =	rddreg [dreg:$0x1]  }
0x3: {  	s3 =	simm.s32 $0x0;
	s14 =	simm.s32 $0x80;
	s15 =	simm.s32 $0x5000  }
0x4: {  	s16 =	simm.s32 $0x1;
	s6 =	sand.u32 $0x1, s0;
	s0 =	stileid.u32  }
0x5: {  	s17 =	simm.s32 $0x0;
	[smem:$0x7FF] =	sst s3;
	s8 =	smul.u32 $0x140000, s6  }
0x6: {  	s4 =	sadd.s32 $0xA4B400, s7;
	s1 =	sshll.u32 s6, $0x4;
	s9 =	smul.u32 $0x14000, s0  }
0x7: {  	s28 =	smul.u32 $0x50000, s0;
	s6 =	ssub.s32 $0x2, s6;
	s1 =	sor.u32 s0, s1  }
0x8: {  	s31 =	sshll.u32 s0, $0x6;
	s29 =	sshrl.u32 s6, $0x1;
	s5 =	smul.u32 $0x500, s1  }
0x9: {  	s1 =	rddreg [dreg:$0x2];
	_ =	strace $0x8000004A;
	s8 =	sadd.s32 s9, s8  }
0xa: {  	s30 =	sshrl.u32 s28, $0x2;
	s12 =	ssub.s32 s6, s29;
	s6 =	sor.u32 $0x1C02, s31  }
0xb: {  	s8 =	sshrl.u32 s8, $0x3;
	s13 =	sadd.s32 s30, s2;
	s10 =	sadd.s32 s5, s7  }
0xc: {  	s5 =	sadd.s32 $0x34C00, s7;
	s11 =	sadd.s32 s8, s7;
	s7 =	sadd.s32 $0x87400, s10  }
0xd: {  	s8 =	sadd.s32 $0x2C00, s10;
	s9 =	sadd.s32 $0x91400, s11;
	s10 =	smax.u32 s12, $0x1  }
0xe: {  	s11 =	sshrl.u32 s13, $0x3;
	s12 =	simm.s32 $0x2;
	s13 =	simm.s32 $0x2800  }
.LBB2_1:
0xf: {  	[spmem:s11], [sflag:s6] =	dma.local [hbm:s5], $0x2800  }
0x10: {  	_ =	swait.ge [sflag:s12], $0x2800  }
0x11: {  	[sflag:s12] =	ssyncset.done $0x0  }
0x12: {  	[sflag:s12] =	ssyncadd.s32 $0xFFFFD800  }
0x13: {  	[tilespmem:s3], [sflag:$0x2] =	stream.linear.gather [hbm4b:s7+s3], $0x2780, $0x38;
	[tilespmem:$0x1D000] =	vst v63  }
0x14: {  	_ =	swait.ge [sflag:s12], $0x2780  }
0x15: {  	[sflag:s12] =	ssyncset.done $0x0  }
0x16: {  	[sflag:s12] =	ssyncadd.s32 $0xFFFFD880  }
0x17: {  	[tilespmem:s13], [sflag:$0x2] =	stream.linear.gather [hbm4b:s8+s3], $0x2780, $0x38;
	[tilespmem:$0x1D000] =	vst v63  }
0x18: {  	_ =	swait.ge [sflag:s12], $0x2780  }
0x19: {  	[sflag:s12] =	ssyncset.done $0x0  }
0x1a: {  	[sflag:s12] =	ssyncadd.s32 $0xFFFFD880  }
0x1b: {  	s18 =	simm.s32 $0x0;
	[bflag:$0x0] =	sbarrier.arrive $0xFFFF  }
0x1c: {  	[tilespmem:s15], [sflag:$0x1] =	stream.indirect.gather [hbm4b:s4+s14], $0x80, s18, s14, $0xb8;
	[tilespmem:$0x1D000] =	vst v63  }
0x1d: {  	_ =	swait.ge [sflag:s16], $0x4000  }
0x1e: {  	[sflag:s16] =	ssyncset.done $0x0  }
0x1f: {  	s31 =	simm.s32 $0x2800;
	[sflag:s16] =	ssyncadd.s32 $0xFFFFC000  }
0x20: {  	[spmem:s2] =	stream.indirect.scatter.add.f32 [tilespmem:s15], [sflag:$0x2], $0x80, s31, s14, $0xb8;
	[tilespmem:$0x1D000] =	vst v63  }
0x21: {  	_ =	swait.ge [sflag:s12], $0x4000  }
0x22: {  	s19 =	simm.s32 $0x400;
	s18 =	simm.s32 $0x200;
	[sflag:s12] =	ssyncset.done $0x0  }
.LBB2_2:
0x23: {  	s20 =	sshra.s32 s18, $0x2  }
0x24: {  	[sflag:s12] =	ssyncadd.s32 $0xFFFFC000;
	s18 =	smov.u32 s19;
	s21 =	sadd.s32 $0x200, s19  }
0x25: {  	[tilespmem:s15], [sflag:$0x1] =	stream.indirect.gather [hbm4b:s4+s14], $0x80, s20, s14, $0xb8;
	[tilespmem:$0x1D000] =	vst v63  }
0x26: {  	p0 =	sne.s32 s19, $0x9C00;
	_ =	swait.ge [sflag:s16], $0x4000  }
.Ltmp0:
0x27: {  	[sflag:s16] =	ssyncset.done $0x0;
	(pc) =	sbr.rel @p0 .LBB2_2-.Ltmp0, $4  }
0x28: {  	s19 =	sadd.s32 $0x2800, s20;
	[sflag:s16] =	ssyncadd.s32 $0xFFFFC000  }
0x29: {  	[spmem:s2] =	stream.indirect.scatter.add.f32 [tilespmem:s15], [sflag:$0x2], $0x80, s19, s14, $0xb8;
	[tilespmem:$0x1D000] =	vst v63  }
0x2a: {  	_ =	swait.ge [sflag:s12], $0x4000  }
0x2b: {  	s19 =	smov.u32 s21;
	[sflag:s12] =	ssyncset.done $0x0  }
0x2c: {  	s18 =	sshra.s32 s18, $0x2;
	[sflag:s12] =	ssyncadd.s32 $0xFFFFC000  }
0x2d: {  	[tilespmem:s15], [sflag:$0x1] =	stream.indirect.gather [hbm4b:s4+s14], $0x80, s18, s14, $0xb8;
	[tilespmem:$0x1D000] =	vst v63  }
0x2e: {  	_ =	swait.ge [sflag:s16], $0x4000  }
0x2f: {  	[sflag:s16] =	ssyncset.done $0x0  }
0x30: {  	s18 =	sadd.s32 $0x2800, s18;
	[sflag:s16] =	ssyncadd.s32 $0xFFFFC000  }
0x31: {  	[spmem:s2] =	stream.indirect.scatter.add.f32 [tilespmem:s15], [sflag:$0x2], $0x80, s18, s14, $0xb8;
	[tilespmem:$0x1D000] =	vst v63  }
0x32: {  	_ =	swait.ge [sflag:s12], $0x4000  }
0x33: {  	s17 =	sadd.s32 $0x1, s17;
	[sflag:s12] =	ssyncset.done $0x0  }
0x34: {  	p0 =	sne.s32 s17, s10;
	[sflag:s12] =	ssyncadd.s32 $0xFFFFC000  }
.Ltmp1:
0x35: {  	[bflag:$0x0] =	sbarrier.arrive $0xFFFF;
	(pc) =	sbr.rel @p0 .LBB2_1-.Ltmp1, $4  }
0x36: {  	[hbm:s9], [sflag:s6] =	dma.local [spmem:s11], $0x2800  }
0x37: {  	_ =	swait.ge [sflag:s12], $0x2800  }
0x38: {  	[sflag:s12] =	ssyncset.done $0x0  }
0x39: {  	[sflag:s12] =	ssyncadd.s32 $0xFFFFD800  }
0x3a: {  	_ =	sfence.sel $0x180000  }
0x3b: {  	[bflag:$0x0] =	sbarrier.arrive $0xFFFF  }
0x3c: {  	p0 =	sne.s32 s0, $0x0;
	_ =	strace $0x9000004A  }
0x3d: {  	s0 =	sadd.s32 @!p0 $0x100000, s1;
	[bflag:$0x2] =	sbarrier.arrive $0xFFFF  }
0x3e: {  	[sflag:s0] =	ssyncadd.tile.s32 @!p0 $0x1;
	_ =	shalt  }
.Lfunc_end2:
_tile_overlayer_lowered:
.L_overlay_start_2:
0x3f: {  	(tag) =	ssettag $0x2  }
0x40: {  	s0 =	rddreg [dreg:$0x0];
	s2 =	stileid.u32  }
0x41: {  	s1 =	rddreg [dreg:$0x1];
	p0 =	sne.s32 s2, $0x0  }
0x42: {  	s3 =	rddreg [dreg:$0x2];
	[bflag:$0x3] =	sbarrier.arrive $0xFFFF;
	s2 =	simm.s32 @!p0 $0x1C02  }
0x43: {  	[timem:s3], [sflag:s2] =	dma.local @!p0 [hbm:s0], s1  }
0x44: {  	s0 =	simm.s32 @!p0 $0x2  }
0x45: {  	_ =	swait.ge @!p0 [sflag:s0], s1  }
0x46: {  	s1 =	ssub.s32 @!p0 $0x0, s1;
	[sflag:s0] =	ssyncset.done @!p0 $0x0  }
0x47: {  	[sflag:s0] =	ssyncadd.s32 @!p0 s1  }
0x48: {  	[bflag:$0x3] =	sbarrier.arrive $0xFFFF  }
0x49: {  	_ =	shalt  }

</sc_bundles>
